<compile_context>
chip_gen: v7x
topology: tpu7x:2x2x1
jax: 0.10.2.dev20260603
libtpu: 0.0.44.dev20260713+nightly
codegen_flags: <defaults>
</compile_context>

<pallas_src>
import functools

import jax
import jax.numpy as jnp
from jax import lax
from jax.experimental import pallas as pl
from jax.experimental.pallas import tpu as pltpu
from jax.experimental.pallas import tpu_sc as plsc

N = 10000
D = 128
NPAD = 10240
NC = 2
NS = 16
NW = NC * NS
CHUNK = 128
R_EDGE = 2560
R_W = R_EDGE // NW
STRIPE = NPAD // NS
BR = 512

_mesh = plsc.VectorSubcoreMesh(core_axis_name="c", subcore_axis_name="s")


@functools.partial(
    pl.kernel,
    out_type=jax.ShapeDtypeStruct((NC, NPAD, D), jnp.float32),
    mesh=_mesh,
    scratch_types=[
        pltpu.VMEM((R_W, CHUNK), jnp.int32),
        pltpu.VMEM((CHUNK, D), jnp.float32),
        pltpu.VMEM_SHARED((NPAD, D), jnp.float32),
    ],
)
def _sc_hist(dstp_hbm, zeros_hbm, ones_hbm, out, dst_v, ones_v, hist_sh):
    c = lax.axis_index("c")
    s = lax.axis_index("s")
    w = c * NS + s
    pltpu.sync_copy(dstp_hbm.at[pl.ds(w * R_W, R_W)], dst_v)
    pltpu.sync_copy(ones_hbm, ones_v)
    pltpu.sync_copy(zeros_hbm, hist_sh.at[pl.ds(s * STRIPE, STRIPE)])
    plsc.subcore_barrier()

    def body(j, carry):
        pltpu.sync_copy(ones_v, hist_sh.at[dst_v.at[j]], add=True)
        return carry

    lax.fori_loop(0, R_W, body, 0)
    plsc.subcore_barrier()
    pltpu.sync_copy(hist_sh.at[pl.ds(s * STRIPE, STRIPE)],
                    out.at[c, pl.ds(s * STRIPE, STRIPE)])


@functools.partial(
    pl.kernel,
    out_type=jax.ShapeDtypeStruct((NC, NPAD, D), jnp.float32),
    mesh=_mesh,
    scratch_types=[
        pltpu.VMEM((R_W // 2, CHUNK), jnp.int32),
        pltpu.VMEM((R_W // 2, CHUNK), jnp.int32),
        pltpu.VMEM((CHUNK, D), jnp.float32),
        pltpu.VMEM((CHUNK, D), jnp.float32),
        pltpu.VMEM_SHARED((NPAD, D), jnp.float32),
        pltpu.SemaphoreType.DMA,
        pltpu.SemaphoreType.DMA,
    ],
)
def _sc_scatter(g_hbm, srcp_hbm, dstp_hbm, zeros_hbm, out,
                src_v, dst_v, b0, b1, acc_sh, s0, s1):
    c = lax.axis_index("c")
    s = lax.axis_index("s")
    w = c * NS + s
    bufs = (b0, b1)
    gsems = (s0, s1)
    R_P = R_W // 2
    pltpu.sync_copy(zeros_hbm, acc_sh.at[pl.ds(s * STRIPE, STRIPE)])
    plsc.subcore_barrier()

    for phase in range(2):
        base = w * R_W + phase * R_P
        pltpu.sync_copy(srcp_hbm.at[pl.ds(base, R_P)], src_v)
        pltpu.sync_copy(dstp_hbm.at[pl.ds(base, R_P)], dst_v)
        pltpu.async_copy(g_hbm.at[src_v.at[0]], b0, s0)

        def body(t, carry):
            for b in range(2):
                j = 2 * t + b

                @pl.when(j + 1 < R_P)
                def _(b=b, j=j):
                    nb = (b + 1) % 2
                    pltpu.async_copy(g_hbm.at[src_v.at[j + 1]], bufs[nb],
                                     gsems[nb])

                pltpu.make_async_copy(g_hbm.at[src_v.at[j]], bufs[b],
                                      gsems[b]).wait()
                pltpu.sync_copy(bufs[b], acc_sh.at[dst_v.at[j]], add=True)
            return carry

        lax.fori_loop(0, R_P // 2, body, 0)
    plsc.subcore_barrier()
    pltpu.sync_copy(acc_sh.at[pl.ds(s * STRIPE, STRIPE)],
                    out.at[c, pl.ds(s * STRIPE, STRIPE)])


_HSPEC0 = pl.BlockSpec((1, BR, D), lambda i: (0, i, 0))
_HSPEC1 = pl.BlockSpec((1, BR, D), lambda i: (1, i, 0))
_PSPEC0 = pl.BlockSpec((1, BR, D), lambda i: (0, i, 0))
_PSPEC1 = pl.BlockSpec((1, BR, D), lambda i: (1, i, 0))
_RSPEC = pl.BlockSpec((BR, D), lambda i: (i, 0))


def _mm_body(x_ref, w_ref, o_ref):
    o_ref[...] = jnp.dot(x_ref[...], w_ref[...],
                         preferred_element_type=jnp.float32)


def _tc_matmul(xp, W):
    return pl.pallas_call(
        _mm_body,
        grid=(NPAD // BR,),
        in_specs=[_RSPEC, pl.BlockSpec((D, D), lambda i: (0, 0))],
        out_specs=_RSPEC,
        out_shape=jax.ShapeDtypeStruct((NPAD, D), jnp.float32),
    )(xp, W)


def _dinv_of(h0_ref, h1_ref):
    return lax.rsqrt(h0_ref[0] + h1_ref[0] + 1.0)


def _scale_body(h_ref, h0_ref, h1_ref, g_ref):
    g_ref[...] = h_ref[...] * _dinv_of(h0_ref, h1_ref)


def _tc_scale(H, hp):
    return pl.pallas_call(
        _scale_body,
        grid=(NPAD // BR,),
        in_specs=[_RSPEC, _HSPEC0, _HSPEC1],
        out_specs=_RSPEC,
        out_shape=jax.ShapeDtypeStruct((NPAD, D), jnp.float32),
    )(H, hp, hp)


def _layer_body(p_ref, q_ref, g_ref, h0_ref, h1_ref, b_ref, w_ref, o_ref):
    dinv = _dinv_of(h0_ref, h1_ref)
    hmid = jnp.maximum(
        dinv * (p_ref[0] + q_ref[0] + g_ref[...]) + b_ref[...], 0.0)
    o_ref[...] = dinv * jnp.dot(hmid, w_ref[...],
                                preferred_element_type=jnp.float32)


def _tc_layer(p, g, hp, b, W):
    return pl.pallas_call(
        _layer_body,
        grid=(NPAD // BR,),
        in_specs=[_PSPEC0, _PSPEC1, _RSPEC, _HSPEC0, _HSPEC1,
                  pl.BlockSpec((1, D), lambda i: (0, 0)),
                  pl.BlockSpec((D, D), lambda i: (0, 0))],
        out_specs=_RSPEC,
        out_shape=jax.ShapeDtypeStruct((NPAD, D), jnp.float32),
    )(p, p, g, hp, hp, b, W)


def _final_body(p_ref, q_ref, g_ref, h0_ref, h1_ref, b_ref, o_ref):
    dinv = _dinv_of(h0_ref, h1_ref)
    o_ref[...] = dinv * (p_ref[0] + q_ref[0] + g_ref[...]) + b_ref[...]


def _tc_final(p, g, hp, b):
    return pl.pallas_call(
        _final_body,
        grid=(NPAD // BR,),
        in_specs=[_PSPEC0, _PSPEC1, _RSPEC, _HSPEC0, _HSPEC1,
                  pl.BlockSpec((1, D), lambda i: (0, 0))],
        out_specs=_RSPEC,
        out_shape=jax.ShapeDtypeStruct((NPAD, D), jnp.float32),
    )(p, p, g, hp, hp, b)


def kernel(x, edge_index, W1, b1, W2, b2):
    src = edge_index[0]
    dst = edge_index[1]
    e = src.shape[0]
    fill = jnp.full((R_EDGE * CHUNK - e,), N, dtype=jnp.int32)
    srcp = jnp.concatenate([src, fill]).reshape(R_EDGE, CHUNK)
    dstp = jnp.concatenate([dst, fill]).reshape(R_EDGE, CHUNK)
    xp = jnp.pad(x, ((0, NPAD - N), (0, 0)))
    zD = jnp.zeros((STRIPE, D), jnp.float32)
    onesD = jnp.ones((CHUNK, D), jnp.float32)

    hp = _sc_hist(dstp, zD, onesD)
    H = _tc_matmul(xp, W1)
    g1 = _tc_scale(H, hp)
    p = _sc_scatter(g1, srcp, dstp, zD)
    g2 = _tc_layer(p, g1, hp, b1.reshape(1, D), W2)
    q = _sc_scatter(g2, srcp, dstp, zD)
    outp = _tc_final(q, g2, hp, b2.reshape(1, D))
    return outp[:N]

# --- scband reference (transcript-rebuilt; emitter-appended) ---
"""Pipeline reference for scband-graph-encoder-12575664243381 (READ-ONLY COPY).

The authoritative reference and input builder live on the scoring server;
editing this copy changes nothing except your own understanding.
"""

import jax, jax.numpy as jnp
import numpy as np

N = 10000
E = 320000
D_IN = 128
D_HID = 128
D_OUT = 128


def setup_inputs(seed: int = 0) -> dict:
    key = jax.random.key(seed)
    k1, k2, k3, k4 = jax.random.split(key, 4)
    x = jax.random.normal(k1, (N, D_IN), dtype=jnp.float32)
    edge_index = jax.random.randint(k2, (2, E), 0, N, dtype=jnp.int32)
    W1 = jax.random.normal(k3, (D_IN, D_HID), dtype=jnp.float32) * (1.0 / np.sqrt(D_IN))
    b1 = jnp.zeros((D_HID,), dtype=jnp.float32)
    W2 = jax.random.normal(k4, (D_HID, D_OUT), dtype=jnp.float32) * (1.0 / np.sqrt(D_HID))
    b2 = jnp.zeros((D_OUT,), dtype=jnp.float32)
    return {"x": x, "edge_index": edge_index, "W1": W1, "b1": b1, "W2": W2, "b2": b2}


def _gcn_conv(x, src, dst, W, b, num_nodes):
    # GCNConv: x' = D^{-1/2} (A + I) D^{-1/2} (x W) + b  (self-loops already in src/dst)
    h = x @ W
    ones = jnp.ones(src.shape[0], dtype=x.dtype)
    deg = jax.ops.segment_sum(ones, dst, num_segments=num_nodes)
    dinv = jnp.where(deg > 0, jax.lax.rsqrt(jnp.maximum(deg, 1e-12)), 0.0)
    norm = dinv[src] * dinv[dst]
    msg = h[src] * norm[:, None]
    agg = jax.ops.segment_sum(msg, dst, num_segments=num_nodes)
    return agg + b


def reference(x, edge_index, W1, b1, W2, b2):
    loops = jnp.arange(N, dtype=edge_index.dtype)
    src = jnp.concatenate([edge_index[0], loops])
    dst = jnp.concatenate([edge_index[1], loops])
    h = _gcn_conv(x, src, dst, W1, b1, N)
    h = jax.nn.relu(h)
    out = _gcn_conv(h, src, dst, W2, b2, N)
    return out

if __name__ == "__main__":
    import jax
    _d = setup_inputs()
    print(jax.jit(kernel)(*tuple(_d.values())))

</pallas_src>

<mosaic_0001>
#map = affine_map<(d0, d1) -> (0, 0)>
#map1 = affine_map<(d0, d1) -> (0, 0, 0)>
module attributes {stable_mosaic.version = 14 : i64} {
  func.func @_sc_scatter(%arg0: i32, %arg1: i32, %arg2: memref<10240x128xf32, #tpu.memory_space<hbm>>, %arg3: memref<2560x128xi32, #tpu.memory_space<hbm>>, %arg4: memref<2560x128xi32, #tpu.memory_space<hbm>>, %arg5: memref<640x128xf32, #tpu.memory_space<hbm>>, %arg6: memref<2x10240x128xf32, #tpu.memory_space<hbm>>, %arg7: memref<40x128xi32, #tpu.memory_space<vmem>>, %arg8: memref<40x128xi32, #tpu.memory_space<vmem>>, %arg9: memref<128x128xf32, #tpu.memory_space<vmem>>, %arg10: memref<128x128xf32, #tpu.memory_space<vmem>>, %arg11: memref<10240x128xf32, #tpu.memory_space<vmem_shared>>, %arg12: memref<!tpu.dma_semaphore, #tpu.memory_space<semaphore_mem>>, %arg13: memref<!tpu.dma_semaphore, #tpu.memory_space<semaphore_mem>>) attributes {dimension_semantics = [#tpu.dimension_semantics<core_parallel>, #tpu.dimension_semantics<subcore_parallel>], iteration_bounds = array<i64: 2, 16>, scalar_prefetch = 0 : i64, scratch_operands = 7 : i64, tpu.core_type = #tpu.core_type<sc_vector_subcore>, window_params = [{transform_indices = #map}, {transform_indices = #map}, {transform_indices = #map}, {transform_indices = #map}, {transform_indices = #map1}]} {
    %mul3A = arith.constant 16 : i32
    %mul3A_0 = arith.muli %arg0, %mul3A : i32
    %add3A = arith.addi %mul3A_0, %arg1 : i32
    %mul3A_1 = arith.constant 640 : i32
    %mul3A_2 = arith.muli %arg1, %mul3A_1 : i32
    "tpu.region"() ({
      %run_scoped3A = tpu.sem_alloc : memref<!tpu.dma_semaphore, #tpu.memory_space<semaphore_mem>>
      %dma_start3A_40 = arith.constant 0 : i32
      %dma_start3A_41 = tpu.memref_slice %arg11[%mul3A_2, %dma_start3A_40] : memref<10240x128xf32, #tpu.memory_space<vmem_shared>> -> memref<640x128xf32, #tpu.memory_space<vmem_shared>>
      tpu.enqueue_dma source(%arg5 : memref<640x128xf32, #tpu.memory_space<hbm>>) target(%dma_start3A_41 : memref<640x128xf32, #tpu.memory_space<vmem_shared>>) target_semaphore(%run_scoped3A : memref<!tpu.dma_semaphore, #tpu.memory_space<semaphore_mem>>)
      %dma_wait3A = arith.constant 0 : i32
      %dma_wait3A_42 = tpu.memref_slice %arg11[%mul3A_2, %dma_wait3A] : memref<10240x128xf32, #tpu.memory_space<vmem_shared>> -> memref<640x128xf32, #tpu.memory_space<vmem_shared>>
      tpu.wait_dma2 semaphore(%run_scoped3A : memref<!tpu.dma_semaphore, #tpu.memory_space<semaphore_mem>>) src(%arg5 : memref<640x128xf32, #tpu.memory_space<hbm>>) dst(%dma_wait3A_42 : memref<640x128xf32, #tpu.memory_space<vmem_shared>>)
      tpu.yield
    }) : () -> ()
    %barrier3A = arith.constant 0 : index
    tpu.barrier barrier_id(%barrier3A)
    %mul3A_3 = arith.constant 80 : i32
    %mul3A_4 = arith.muli %add3A, %mul3A_3 : i32
    %add3A_5 = arith.constant 0 : i32
    %add3A_6 = arith.addi %mul3A_4, %add3A_5 : i32
    "tpu.region"() ({
      %run_scoped3A = tpu.sem_alloc : memref<!tpu.dma_semaphore, #tpu.memory_space<semaphore_mem>>
      %dma_start3A_40 = arith.constant 0 : i32
      %dma_start3A_41 = tpu.memref_slice %arg3[%add3A_6, %dma_start3A_40] : memref<2560x128xi32, #tpu.memory_space<hbm>> -> memref<40x128xi32, #tpu.memory_space<hbm>>
      %dma_start3A_42 = arith.constant 0 : i32
      %dma_start3A_43 = tpu.memref_slice %arg3[%add3A_6, %dma_start3A_42] : memref<2560x128xi32, #tpu.memory_space<hbm>> -> memref<40x128xi32, #tpu.memory_space<hbm>>
      tpu.enqueue_dma source(%dma_start3A_43 : memref<40x128xi32, #tpu.memory_space<hbm>>) target(%arg7 : memref<40x128xi32, #tpu.memory_space<vmem>>) target_semaphore(%run_scoped3A : memref<!tpu.dma_semaphore, #tpu.memory_space<semaphore_mem>>)
      %dma_wait3A = arith.constant 0 : i32
      %dma_wait3A_44 = tpu.memref_slice %arg3[%add3A_6, %dma_wait3A] : memref<2560x128xi32, #tpu.memory_space<hbm>> -> memref<40x128xi32, #tpu.memory_space<hbm>>
      %dma_wait3A_45 = arith.constant 0 : i32
      %dma_wait3A_46 = tpu.memref_slice %arg3[%add3A_6, %dma_wait3A_45] : memref<2560x128xi32, #tpu.memory_space<hbm>> -> memref<40x128xi32, #tpu.memory_space<hbm>>
      tpu.wait_dma2 semaphore(%run_scoped3A : memref<!tpu.dma_semaphore, #tpu.memory_space<semaphore_mem>>) src(%dma_wait3A_46 : memref<40x128xi32, #tpu.memory_space<hbm>>) dst(%arg7 : memref<40x128xi32, #tpu.memory_space<vmem>>)
      tpu.yield
    }) : () -> ()
    "tpu.region"() ({
      %run_scoped3A = tpu.sem_alloc : memref<!tpu.dma_semaphore, #tpu.memory_space<semaphore_mem>>
      %dma_start3A_40 = arith.constant 0 : i32
      %dma_start3A_41 = tpu.memref_slice %arg4[%add3A_6, %dma_start3A_40] : memref<2560x128xi32, #tpu.memory_space<hbm>> -> memref<40x128xi32, #tpu.memory_space<hbm>>
      %dma_start3A_42 = arith.constant 0 : i32
      %dma_start3A_43 = tpu.memref_slice %arg4[%add3A_6, %dma_start3A_42] : memref<2560x128xi32, #tpu.memory_space<hbm>> -> memref<40x128xi32, #tpu.memory_space<hbm>>
      tpu.enqueue_dma source(%dma_start3A_43 : memref<40x128xi32, #tpu.memory_space<hbm>>) target(%arg8 : memref<40x128xi32, #tpu.memory_space<vmem>>) target_semaphore(%run_scoped3A : memref<!tpu.dma_semaphore, #tpu.memory_space<semaphore_mem>>)
      %dma_wait3A = arith.constant 0 : i32
      %dma_wait3A_44 = tpu.memref_slice %arg4[%add3A_6, %dma_wait3A] : memref<2560x128xi32, #tpu.memory_space<hbm>> -> memref<40x128xi32, #tpu.memory_space<hbm>>
      %dma_wait3A_45 = arith.constant 0 : i32
      %dma_wait3A_46 = tpu.memref_slice %arg4[%add3A_6, %dma_wait3A_45] : memref<2560x128xi32, #tpu.memory_space<hbm>> -> memref<40x128xi32, #tpu.memory_space<hbm>>
      tpu.wait_dma2 semaphore(%run_scoped3A : memref<!tpu.dma_semaphore, #tpu.memory_space<semaphore_mem>>) src(%dma_wait3A_46 : memref<40x128xi32, #tpu.memory_space<hbm>>) dst(%arg8 : memref<40x128xi32, #tpu.memory_space<vmem>>)
      tpu.yield
    }) : () -> ()
    %dma_start3A = arith.constant 0 : i32
    %dma_start3A_7 = arith.constant 0 : i32
    %dma_start3A_8 = tpu.memref_slice %arg7[%dma_start3A, %dma_start3A_7] : memref<40x128xi32, #tpu.memory_space<vmem>> -> memref<1x128xi32, #tpu.memory_space<vmem>>
    %dma_start3A_9 = tpu.memref_squeeze %dma_start3A_8 : memref<1x128xi32, #tpu.memory_space<vmem>> -> memref<128xi32, #tpu.memory_space<vmem>>
    %dma_start3A_10 = arith.constant 0 : i32
    %dma_start3A_11 = arith.constant 0 : i32
    %dma_start3A_12 = tpu.memref_slice %arg2[%dma_start3A_10, %dma_start3A_11] : memref<10240x128xf32, #tpu.memory_space<hbm>> -> memref<10240x128xf32, #tpu.memory_space<hbm>>
    tpu.enqueue_indirect_dma source(%dma_start3A_12 : memref<10240x128xf32, #tpu.memory_space<hbm>>) target(%arg9 : memref<128x128xf32, #tpu.memory_space<vmem>>) offsets(%dma_start3A_9 : memref<128xi32, #tpu.memory_space<vmem>>) semaphore(%arg12 : memref<!tpu.dma_semaphore, #tpu.memory_space<semaphore_mem>>)
    %scan3A = arith.constant 0 : i32
    %scan3A_13 = arith.constant 0 : i32
    %scan3A_14 = arith.constant 20 : i32
    %scan3A_15 = arith.addi %scan3A_13, %scan3A_14 : i32
    %scan3A_16 = arith.constant 1 : i32
    scf.for %scan3A_40 = %scan3A_13 to %scan3A_15 step %scan3A_16  : i32 {
      %mul3A_41 = arith.constant 2 : i32
      %mul3A_42 = arith.muli %mul3A_41, %scan3A_40 : i32
      %add3A_43 = arith.constant 0 : i32
      %add3A_44 = arith.addi %mul3A_42, %add3A_43 : i32
      %add3A_45 = arith.constant 1 : i32
      %add3A_46 = arith.addi %add3A_44, %add3A_45 : i32
      %lt3A = arith.constant 40 : i32
      %lt3A_47 = arith.cmpi slt, %add3A_46, %lt3A : i32
      %convert_element_type3A = arith.extui %lt3A_47 : i1 to i32
      %cond3A = arith.constant 0 : i32
      %cond3A_48 = arith.cmpi ne, %convert_element_type3A, %cond3A : i32
      scf.if %cond3A_48 {
        %add3A_71 = arith.constant 1 : i32
        %add3A_72 = arith.addi %add3A_44, %add3A_71 : i32
        %dma_start3A_73 = arith.constant 0 : i32
        %dma_start3A_74 = tpu.memref_slice %arg7[%add3A_72, %dma_start3A_73] : memref<40x128xi32, #tpu.memory_space<vmem>> -> memref<1x128xi32, #tpu.memory_space<vmem>>
        %dma_start3A_75 = tpu.memref_squeeze %dma_start3A_74 : memref<1x128xi32, #tpu.memory_space<vmem>> -> memref<128xi32, #tpu.memory_space<vmem>>
        %dma_start3A_76 = arith.constant 0 : i32
        %dma_start3A_77 = arith.constant 0 : i32
        %dma_start3A_78 = tpu.memref_slice %arg2[%dma_start3A_76, %dma_start3A_77] : memref<10240x128xf32, #tpu.memory_space<hbm>> -> memref<10240x128xf32, #tpu.memory_space<hbm>>
        tpu.enqueue_indirect_dma source(%dma_start3A_78 : memref<10240x128xf32, #tpu.memory_space<hbm>>) target(%arg10 : memref<128x128xf32, #tpu.memory_space<vmem>>) offsets(%dma_start3A_75 : memref<128xi32, #tpu.memory_space<vmem>>) semaphore(%arg13 : memref<!tpu.dma_semaphore, #tpu.memory_space<semaphore_mem>>)
      } else {
      }
      %dma_wait3A = arith.constant 0 : i32
      %dma_wait3A_49 = tpu.memref_slice %arg7[%add3A_44, %dma_wait3A] : memref<40x128xi32, #tpu.memory_space<vmem>> -> memref<1x128xi32, #tpu.memory_space<vmem>>
      %dma_wait3A_50 = tpu.memref_squeeze %dma_wait3A_49 : memref<1x128xi32, #tpu.memory_space<vmem>> -> memref<128xi32, #tpu.memory_space<vmem>>
      %dma_wait3A_51 = arith.constant 0 : i32
      %dma_wait3A_52 = arith.constant 0 : i32
      %dma_wait3A_53 = tpu.memref_slice %arg2[%dma_wait3A_51, %dma_wait3A_52] : memref<10240x128xf32, #tpu.memory_space<hbm>> -> memref<10240x128xf32, #tpu.memory_space<hbm>>
      tpu.wait_indirect_dma semaphore(%arg12 : memref<!tpu.dma_semaphore, #tpu.memory_space<semaphore_mem>>) src(%dma_wait3A_53 : memref<10240x128xf32, #tpu.memory_space<hbm>>) dst(%arg9 : memref<128x128xf32, #tpu.memory_space<vmem>>)
      "tpu.region"() ({
        %run_scoped3A = tpu.sem_alloc : memref<!tpu.dma_semaphore, #tpu.memory_space<semaphore_mem>>
        %dma_start3A_71 = arith.constant 0 : i32
        %dma_start3A_72 = tpu.memref_slice %arg8[%add3A_44, %dma_start3A_71] : memref<40x128xi32, #tpu.memory_space<vmem>> -> memref<1x128xi32, #tpu.memory_space<vmem>>
        %dma_start3A_73 = tpu.memref_squeeze %dma_start3A_72 : memref<1x128xi32, #tpu.memory_space<vmem>> -> memref<128xi32, #tpu.memory_space<vmem>>
        %dma_start3A_74 = arith.constant 0 : i32
        %dma_start3A_75 = arith.constant 0 : i32
        %dma_start3A_76 = tpu.memref_slice %arg11[%dma_start3A_74, %dma_start3A_75] : memref<10240x128xf32, #tpu.memory_space<vmem_shared>> -> memref<10240x128xf32, #tpu.memory_space<vmem_shared>>
        tpu.enqueue_indirect_dma source(%arg9 : memref<128x128xf32, #tpu.memory_space<vmem>>) target(%dma_start3A_76 : memref<10240x128xf32, #tpu.memory_space<vmem_shared>>) offsets(%dma_start3A_73 : memref<128xi32, #tpu.memory_space<vmem>>) semaphore(%run_scoped3A : memref<!tpu.dma_semaphore, #tpu.memory_space<semaphore_mem>>) {add = true}
        %dma_wait3A_77 = arith.constant 0 : i32
        %dma_wait3A_78 = tpu.memref_slice %arg8[%add3A_44, %dma_wait3A_77] : memref<40x128xi32, #tpu.memory_space<vmem>> -> memref<1x128xi32, #tpu.memory_space<vmem>>
        %dma_wait3A_79 = tpu.memref_squeeze %dma_wait3A_78 : memref<1x128xi32, #tpu.memory_space<vmem>> -> memref<128xi32, #tpu.memory_space<vmem>>
        %dma_wait3A_80 = arith.constant 0 : i32
        %dma_wait3A_81 = arith.constant 0 : i32
        %dma_wait3A_82 = tpu.memref_slice %arg11[%dma_wait3A_80, %dma_wait3A_81] : memref<10240x128xf32, #tpu.memory_space<vmem_shared>> -> memref<10240x128xf32, #tpu.memory_space<vmem_shared>>
        tpu.wait_indirect_dma semaphore(%run_scoped3A : memref<!tpu.dma_semaphore, #tpu.memory_space<semaphore_mem>>) src(%arg9 : memref<128x128xf32, #tpu.memory_space<vmem>>) dst(%dma_wait3A_82 : memref<10240x128xf32, #tpu.memory_space<vmem_shared>>)
        tpu.yield
      }) : () -> ()
      %mul3A_54 = arith.constant 2 : i32
      %mul3A_55 = arith.muli %mul3A_54, %scan3A_40 : i32
      %add3A_56 = arith.constant 1 : i32
      %add3A_57 = arith.addi %mul3A_55, %add3A_56 : i32
      %add3A_58 = arith.constant 1 : i32
      %add3A_59 = arith.addi %add3A_57, %add3A_58 : i32
      %lt3A_60 = arith.constant 40 : i32
      %lt3A_61 = arith.cmpi slt, %add3A_59, %lt3A_60 : i32
      %convert_element_type3A_62 = arith.extui %lt3A_61 : i1 to i32
      %cond3A_63 = arith.constant 0 : i32
      %cond3A_64 = arith.cmpi ne, %convert_element_type3A_62, %cond3A_63 : i32
      scf.if %cond3A_64 {
        %add3A_71 = arith.constant 1 : i32
        %add3A_72 = arith.addi %add3A_57, %add3A_71 : i32
        %dma_start3A_73 = arith.constant 0 : i32
        %dma_start3A_74 = tpu.memref_slice %arg7[%add3A_72, %dma_start3A_73] : memref<40x128xi32, #tpu.memory_space<vmem>> -> memref<1x128xi32, #tpu.memory_space<vmem>>
        %dma_start3A_75 = tpu.memref_squeeze %dma_start3A_74 : memref<1x128xi32, #tpu.memory_space<vmem>> -> memref<128xi32, #tpu.memory_space<vmem>>
        %dma_start3A_76 = arith.constant 0 : i32
        %dma_start3A_77 = arith.constant 0 : i32
        %dma_start3A_78 = tpu.memref_slice %arg2[%dma_start3A_76, %dma_start3A_77] : memref<10240x128xf32, #tpu.memory_space<hbm>> -> memref<10240x128xf32, #tpu.memory_space<hbm>>
        tpu.enqueue_indirect_dma source(%dma_start3A_78 : memref<10240x128xf32, #tpu.memory_space<hbm>>) target(%arg9 : memref<128x128xf32, #tpu.memory_space<vmem>>) offsets(%dma_start3A_75 : memref<128xi32, #tpu.memory_space<vmem>>) semaphore(%arg12 : memref<!tpu.dma_semaphore, #tpu.memory_space<semaphore_mem>>)
      } else {
      }
      %dma_wait3A_65 = arith.constant 0 : i32
      %dma_wait3A_66 = tpu.memref_slice %arg7[%add3A_57, %dma_wait3A_65] : memref<40x128xi32, #tpu.memory_space<vmem>> -> memref<1x128xi32, #tpu.memory_space<vmem>>
      %dma_wait3A_67 = tpu.memref_squeeze %dma_wait3A_66 : memref<1x128xi32, #tpu.memory_space<vmem>> -> memref<128xi32, #tpu.memory_space<vmem>>
      %dma_wait3A_68 = arith.constant 0 : i32
      %dma_wait3A_69 = arith.constant 0 : i32
      %dma_wait3A_70 = tpu.memref_slice %arg2[%dma_wait3A_68, %dma_wait3A_69] : memref<10240x128xf32, #tpu.memory_space<hbm>> -> memref<10240x128xf32, #tpu.memory_space<hbm>>
      tpu.wait_indirect_dma semaphore(%arg13 : memref<!tpu.dma_semaphore, #tpu.memory_space<semaphore_mem>>) src(%dma_wait3A_70 : memref<10240x128xf32, #tpu.memory_space<hbm>>) dst(%arg10 : memref<128x128xf32, #tpu.memory_space<vmem>>)
      "tpu.region"() ({
        %run_scoped3A = tpu.sem_alloc : memref<!tpu.dma_semaphore, #tpu.memory_space<semaphore_mem>>
        %dma_start3A_71 = arith.constant 0 : i32
        %dma_start3A_72 = tpu.memref_slice %arg8[%add3A_57, %dma_start3A_71] : memref<40x128xi32, #tpu.memory_space<vmem>> -> memref<1x128xi32, #tpu.memory_space<vmem>>
        %dma_start3A_73 = tpu.memref_squeeze %dma_start3A_72 : memref<1x128xi32, #tpu.memory_space<vmem>> -> memref<128xi32, #tpu.memory_space<vmem>>
        %dma_start3A_74 = arith.constant 0 : i32
        %dma_start3A_75 = arith.constant 0 : i32
        %dma_start3A_76 = tpu.memref_slice %arg11[%dma_start3A_74, %dma_start3A_75] : memref<10240x128xf32, #tpu.memory_space<vmem_shared>> -> memref<10240x128xf32, #tpu.memory_space<vmem_shared>>
        tpu.enqueue_indirect_dma source(%arg10 : memref<128x128xf32, #tpu.memory_space<vmem>>) target(%dma_start3A_76 : memref<10240x128xf32, #tpu.memory_space<vmem_shared>>) offsets(%dma_start3A_73 : memref<128xi32, #tpu.memory_space<vmem>>) semaphore(%run_scoped3A : memref<!tpu.dma_semaphore, #tpu.memory_space<semaphore_mem>>) {add = true}
        %dma_wait3A_77 = arith.constant 0 : i32
        %dma_wait3A_78 = tpu.memref_slice %arg8[%add3A_57, %dma_wait3A_77] : memref<40x128xi32, #tpu.memory_space<vmem>> -> memref<1x128xi32, #tpu.memory_space<vmem>>
        %dma_wait3A_79 = tpu.memref_squeeze %dma_wait3A_78 : memref<1x128xi32, #tpu.memory_space<vmem>> -> memref<128xi32, #tpu.memory_space<vmem>>
        %dma_wait3A_80 = arith.constant 0 : i32
        %dma_wait3A_81 = arith.constant 0 : i32
        %dma_wait3A_82 = tpu.memref_slice %arg11[%dma_wait3A_80, %dma_wait3A_81] : memref<10240x128xf32, #tpu.memory_space<vmem_shared>> -> memref<10240x128xf32, #tpu.memory_space<vmem_shared>>
        tpu.wait_indirect_dma semaphore(%run_scoped3A : memref<!tpu.dma_semaphore, #tpu.memory_space<semaphore_mem>>) src(%arg10 : memref<128x128xf32, #tpu.memory_space<vmem>>) dst(%dma_wait3A_82 : memref<10240x128xf32, #tpu.memory_space<vmem_shared>>)
        tpu.yield
      }) : () -> ()
    }
    %scan3A_17 = arith.constant 20 : i32
    %mul3A_18 = arith.constant 80 : i32
    %mul3A_19 = arith.muli %add3A, %mul3A_18 : i32
    %add3A_20 = arith.constant 40 : i32
    %add3A_21 = arith.addi %mul3A_19, %add3A_20 : i32
    "tpu.region"() ({
      %run_scoped3A = tpu.sem_alloc : memref<!tpu.dma_semaphore, #tpu.memory_space<semaphore_mem>>
      %dma_start3A_40 = arith.constant 0 : i32
      %dma_start3A_41 = tpu.memref_slice %arg3[%add3A_21, %dma_start3A_40] : memref<2560x128xi32, #tpu.memory_space<hbm>> -> memref<40x128xi32, #tpu.memory_space<hbm>>
      %dma_start3A_42 = arith.constant 0 : i32
      %dma_start3A_43 = tpu.memref_slice %arg3[%add3A_21, %dma_start3A_42] : memref<2560x128xi32, #tpu.memory_space<hbm>> -> memref<40x128xi32, #tpu.memory_space<hbm>>
      tpu.enqueue_dma source(%dma_start3A_43 : memref<40x128xi32, #tpu.memory_space<hbm>>) target(%arg7 : memref<40x128xi32, #tpu.memory_space<vmem>>) target_semaphore(%run_scoped3A : memref<!tpu.dma_semaphore, #tpu.memory_space<semaphore_mem>>)
      %dma_wait3A = arith.constant 0 : i32
      %dma_wait3A_44 = tpu.memref_slice %arg3[%add3A_21, %dma_wait3A] : memref<2560x128xi32, #tpu.memory_space<hbm>> -> memref<40x128xi32, #tpu.memory_space<hbm>>
      %dma_wait3A_45 = arith.constant 0 : i32
      %dma_wait3A_46 = tpu.memref_slice %arg3[%add3A_21, %dma_wait3A_45] : memref<2560x128xi32, #tpu.memory_space<hbm>> -> memref<40x128xi32, #tpu.memory_space<hbm>>
      tpu.wait_dma2 semaphore(%run_scoped3A : memref<!tpu.dma_semaphore, #tpu.memory_space<semaphore_mem>>) src(%dma_wait3A_46 : memref<40x128xi32, #tpu.memory_space<hbm>>) dst(%arg7 : memref<40x128xi32, #tpu.memory_space<vmem>>)
      tpu.yield
    }) : () -> ()
    "tpu.region"() ({
      %run_scoped3A = tpu.sem_alloc : memref<!tpu.dma_semaphore, #tpu.memory_space<semaphore_mem>>
      %dma_start3A_40 = arith.constant 0 : i32
      %dma_start3A_41 = tpu.memref_slice %arg4[%add3A_21, %dma_start3A_40] : memref<2560x128xi32, #tpu.memory_space<hbm>> -> memref<40x128xi32, #tpu.memory_space<hbm>>
      %dma_start3A_42 = arith.constant 0 : i32
      %dma_start3A_43 = tpu.memref_slice %arg4[%add3A_21, %dma_start3A_42] : memref<2560x128xi32, #tpu.memory_space<hbm>> -> memref<40x128xi32, #tpu.memory_space<hbm>>
      tpu.enqueue_dma source(%dma_start3A_43 : memref<40x128xi32, #tpu.memory_space<hbm>>) target(%arg8 : memref<40x128xi32, #tpu.memory_space<vmem>>) target_semaphore(%run_scoped3A : memref<!tpu.dma_semaphore, #tpu.memory_space<semaphore_mem>>)
      %dma_wait3A = arith.constant 0 : i32
      %dma_wait3A_44 = tpu.memref_slice %arg4[%add3A_21, %dma_wait3A] : memref<2560x128xi32, #tpu.memory_space<hbm>> -> memref<40x128xi32, #tpu.memory_space<hbm>>
      %dma_wait3A_45 = arith.constant 0 : i32
      %dma_wait3A_46 = tpu.memref_slice %arg4[%add3A_21, %dma_wait3A_45] : memref<2560x128xi32, #tpu.memory_space<hbm>> -> memref<40x128xi32, #tpu.memory_space<hbm>>
      tpu.wait_dma2 semaphore(%run_scoped3A : memref<!tpu.dma_semaphore, #tpu.memory_space<semaphore_mem>>) src(%dma_wait3A_46 : memref<40x128xi32, #tpu.memory_space<hbm>>) dst(%arg8 : memref<40x128xi32, #tpu.memory_space<vmem>>)
      tpu.yield
    }) : () -> ()
    %dma_start3A_22 = arith.constant 0 : i32
    %dma_start3A_23 = arith.constant 0 : i32
    %dma_start3A_24 = tpu.memref_slice %arg7[%dma_start3A_22, %dma_start3A_23] : memref<40x128xi32, #tpu.memory_space<vmem>> -> memref<1x128xi32, #tpu.memory_space<vmem>>
    %dma_start3A_25 = tpu.memref_squeeze %dma_start3A_24 : memref<1x128xi32, #tpu.memory_space<vmem>> -> memref<128xi32, #tpu.memory_space<vmem>>
    %dma_start3A_26 = arith.constant 0 : i32
    %dma_start3A_27 = arith.constant 0 : i32
    %dma_start3A_28 = tpu.memref_slice %arg2[%dma_start3A_26, %dma_start3A_27] : memref<10240x128xf32, #tpu.memory_space<hbm>> -> memref<10240x128xf32, #tpu.memory_space<hbm>>
    tpu.enqueue_indirect_dma source(%dma_start3A_28 : memref<10240x128xf32, #tpu.memory_space<hbm>>) target(%arg9 : memref<128x128xf32, #tpu.memory_space<vmem>>) offsets(%dma_start3A_25 : memref<128xi32, #tpu.memory_space<vmem>>) semaphore(%arg12 : memref<!tpu.dma_semaphore, #tpu.memory_space<semaphore_mem>>)
    %scan3A_29 = arith.constant 0 : i32
    %scan3A_30 = arith.constant 0 : i32
    %scan3A_31 = arith.constant 20 : i32
    %scan3A_32 = arith.addi %scan3A_30, %scan3A_31 : i32
    %scan3A_33 = arith.constant 1 : i32
    scf.for %scan3A_40 = %scan3A_30 to %scan3A_32 step %scan3A_33  : i32 {
      %mul3A_41 = arith.constant 2 : i32
      %mul3A_42 = arith.muli %mul3A_41, %scan3A_40 : i32
      %add3A_43 = arith.constant 0 : i32
      %add3A_44 = arith.addi %mul3A_42, %add3A_43 : i32
      %add3A_45 = arith.constant 1 : i32
      %add3A_46 = arith.addi %add3A_44, %add3A_45 : i32
      %lt3A = arith.constant 40 : i32
      %lt3A_47 = arith.cmpi slt, %add3A_46, %lt3A : i32
      %convert_element_type3A = arith.extui %lt3A_47 : i1 to i32
      %cond3A = arith.constant 0 : i32
      %cond3A_48 = arith.cmpi ne, %convert_element_type3A, %cond3A : i32
      scf.if %cond3A_48 {
        %add3A_71 = arith.constant 1 : i32
        %add3A_72 = arith.addi %add3A_44, %add3A_71 : i32
        %dma_start3A_73 = arith.constant 0 : i32
        %dma_start3A_74 = tpu.memref_slice %arg7[%add3A_72, %dma_start3A_73] : memref<40x128xi32, #tpu.memory_space<vmem>> -> memref<1x128xi32, #tpu.memory_space<vmem>>
        %dma_start3A_75 = tpu.memref_squeeze %dma_start3A_74 : memref<1x128xi32, #tpu.memory_space<vmem>> -> memref<128xi32, #tpu.memory_space<vmem>>
        %dma_start3A_76 = arith.constant 0 : i32
        %dma_start3A_77 = arith.constant 0 : i32
        %dma_start3A_78 = tpu.memref_slice %arg2[%dma_start3A_76, %dma_start3A_77] : memref<10240x128xf32, #tpu.memory_space<hbm>> -> memref<10240x128xf32, #tpu.memory_space<hbm>>
        tpu.enqueue_indirect_dma source(%dma_start3A_78 : memref<10240x128xf32, #tpu.memory_space<hbm>>) target(%arg10 : memref<128x128xf32, #tpu.memory_space<vmem>>) offsets(%dma_start3A_75 : memref<128xi32, #tpu.memory_space<vmem>>) semaphore(%arg13 : memref<!tpu.dma_semaphore, #tpu.memory_space<semaphore_mem>>)
      } else {
      }
      %dma_wait3A = arith.constant 0 : i32
      %dma_wait3A_49 = tpu.memref_slice %arg7[%add3A_44, %dma_wait3A] : memref<40x128xi32, #tpu.memory_space<vmem>> -> memref<1x128xi32, #tpu.memory_space<vmem>>
      %dma_wait3A_50 = tpu.memref_squeeze %dma_wait3A_49 : memref<1x128xi32, #tpu.memory_space<vmem>> -> memref<128xi32, #tpu.memory_space<vmem>>
      %dma_wait3A_51 = arith.constant 0 : i32
      %dma_wait3A_52 = arith.constant 0 : i32
      %dma_wait3A_53 = tpu.memref_slice %arg2[%dma_wait3A_51, %dma_wait3A_52] : memref<10240x128xf32, #tpu.memory_space<hbm>> -> memref<10240x128xf32, #tpu.memory_space<hbm>>
      tpu.wait_indirect_dma semaphore(%arg12 : memref<!tpu.dma_semaphore, #tpu.memory_space<semaphore_mem>>) src(%dma_wait3A_53 : memref<10240x128xf32, #tpu.memory_space<hbm>>) dst(%arg9 : memref<128x128xf32, #tpu.memory_space<vmem>>)
      "tpu.region"() ({
        %run_scoped3A = tpu.sem_alloc : memref<!tpu.dma_semaphore, #tpu.memory_space<semaphore_mem>>
        %dma_start3A_71 = arith.constant 0 : i32
        %dma_start3A_72 = tpu.memref_slice %arg8[%add3A_44, %dma_start3A_71] : memref<40x128xi32, #tpu.memory_space<vmem>> -> memref<1x128xi32, #tpu.memory_space<vmem>>
        %dma_start3A_73 = tpu.memref_squeeze %dma_start3A_72 : memref<1x128xi32, #tpu.memory_space<vmem>> -> memref<128xi32, #tpu.memory_space<vmem>>
        %dma_start3A_74 = arith.constant 0 : i32
        %dma_start3A_75 = arith.constant 0 : i32
        %dma_start3A_76 = tpu.memref_slice %arg11[%dma_start3A_74, %dma_start3A_75] : memref<10240x128xf32, #tpu.memory_space<vmem_shared>> -> memref<10240x128xf32, #tpu.memory_space<vmem_shared>>
        tpu.enqueue_indirect_dma source(%arg9 : memref<128x128xf32, #tpu.memory_space<vmem>>) target(%dma_start3A_76 : memref<10240x128xf32, #tpu.memory_space<vmem_shared>>) offsets(%dma_start3A_73 : memref<128xi32, #tpu.memory_space<vmem>>) semaphore(%run_scoped3A : memref<!tpu.dma_semaphore, #tpu.memory_space<semaphore_mem>>) {add = true}
        %dma_wait3A_77 = arith.constant 0 : i32
        %dma_wait3A_78 = tpu.memref_slice %arg8[%add3A_44, %dma_wait3A_77] : memref<40x128xi32, #tpu.memory_space<vmem>> -> memref<1x128xi32, #tpu.memory_space<vmem>>
        %dma_wait3A_79 = tpu.memref_squeeze %dma_wait3A_78 : memref<1x128xi32, #tpu.memory_space<vmem>> -> memref<128xi32, #tpu.memory_space<vmem>>
        %dma_wait3A_80 = arith.constant 0 : i32
        %dma_wait3A_81 = arith.constant 0 : i32
        %dma_wait3A_82 = tpu.memref_slice %arg11[%dma_wait3A_80, %dma_wait3A_81] : memref<10240x128xf32, #tpu.memory_space<vmem_shared>> -> memref<10240x128xf32, #tpu.memory_space<vmem_shared>>
        tpu.wait_indirect_dma semaphore(%run_scoped3A : memref<!tpu.dma_semaphore, #tpu.memory_space<semaphore_mem>>) src(%arg9 : memref<128x128xf32, #tpu.memory_space<vmem>>) dst(%dma_wait3A_82 : memref<10240x128xf32, #tpu.memory_space<vmem_shared>>)
        tpu.yield
      }) : () -> ()
      %mul3A_54 = arith.constant 2 : i32
      %mul3A_55 = arith.muli %mul3A_54, %scan3A_40 : i32
      %add3A_56 = arith.constant 1 : i32
      %add3A_57 = arith.addi %mul3A_55, %add3A_56 : i32
      %add3A_58 = arith.constant 1 : i32
      %add3A_59 = arith.addi %add3A_57, %add3A_58 : i32
      %lt3A_60 = arith.constant 40 : i32
      %lt3A_61 = arith.cmpi slt, %add3A_59, %lt3A_60 : i32
      %convert_element_type3A_62 = arith.extui %lt3A_61 : i1 to i32
      %cond3A_63 = arith.constant 0 : i32
      %cond3A_64 = arith.cmpi ne, %convert_element_type3A_62, %cond3A_63 : i32
      scf.if %cond3A_64 {
        %add3A_71 = arith.constant 1 : i32
        %add3A_72 = arith.addi %add3A_57, %add3A_71 : i32
        %dma_start3A_73 = arith.constant 0 : i32
        %dma_start3A_74 = tpu.memref_slice %arg7[%add3A_72, %dma_start3A_73] : memref<40x128xi32, #tpu.memory_space<vmem>> -> memref<1x128xi32, #tpu.memory_space<vmem>>
        %dma_start3A_75 = tpu.memref_squeeze %dma_start3A_74 : memref<1x128xi32, #tpu.memory_space<vmem>> -> memref<128xi32, #tpu.memory_space<vmem>>
        %dma_start3A_76 = arith.constant 0 : i32
        %dma_start3A_77 = arith.constant 0 : i32
        %dma_start3A_78 = tpu.memref_slice %arg2[%dma_start3A_76, %dma_start3A_77] : memref<10240x128xf32, #tpu.memory_space<hbm>> -> memref<10240x128xf32, #tpu.memory_space<hbm>>
        tpu.enqueue_indirect_dma source(%dma_start3A_78 : memref<10240x128xf32, #tpu.memory_space<hbm>>) target(%arg9 : memref<128x128xf32, #tpu.memory_space<vmem>>) offsets(%dma_start3A_75 : memref<128xi32, #tpu.memory_space<vmem>>) semaphore(%arg12 : memref<!tpu.dma_semaphore, #tpu.memory_space<semaphore_mem>>)
      } else {
      }
      %dma_wait3A_65 = arith.constant 0 : i32
      %dma_wait3A_66 = tpu.memref_slice %arg7[%add3A_57, %dma_wait3A_65] : memref<40x128xi32, #tpu.memory_space<vmem>> -> memref<1x128xi32, #tpu.memory_space<vmem>>
      %dma_wait3A_67 = tpu.memref_squeeze %dma_wait3A_66 : memref<1x128xi32, #tpu.memory_space<vmem>> -> memref<128xi32, #tpu.memory_space<vmem>>
      %dma_wait3A_68 = arith.constant 0 : i32
      %dma_wait3A_69 = arith.constant 0 : i32
      %dma_wait3A_70 = tpu.memref_slice %arg2[%dma_wait3A_68, %dma_wait3A_69] : memref<10240x128xf32, #tpu.memory_space<hbm>> -> memref<10240x128xf32, #tpu.memory_space<hbm>>
      tpu.wait_indirect_dma semaphore(%arg13 : memref<!tpu.dma_semaphore, #tpu.memory_space<semaphore_mem>>) src(%dma_wait3A_70 : memref<10240x128xf32, #tpu.memory_space<hbm>>) dst(%arg10 : memref<128x128xf32, #tpu.memory_space<vmem>>)
      "tpu.region"() ({
        %run_scoped3A = tpu.sem_alloc : memref<!tpu.dma_semaphore, #tpu.memory_space<semaphore_mem>>
        %dma_start3A_71 = arith.constant 0 : i32
        %dma_start3A_72 = tpu.memref_slice %arg8[%add3A_57, %dma_start3A_71] : memref<40x128xi32, #tpu.memory_space<vmem>> -> memref<1x128xi32, #tpu.memory_space<vmem>>
        %dma_start3A_73 = tpu.memref_squeeze %dma_start3A_72 : memref<1x128xi32, #tpu.memory_space<vmem>> -> memref<128xi32, #tpu.memory_space<vmem>>
        %dma_start3A_74 = arith.constant 0 : i32
        %dma_start3A_75 = arith.constant 0 : i32
        %dma_start3A_76 = tpu.memref_slice %arg11[%dma_start3A_74, %dma_start3A_75] : memref<10240x128xf32, #tpu.memory_space<vmem_shared>> -> memref<10240x128xf32, #tpu.memory_space<vmem_shared>>
        tpu.enqueue_indirect_dma source(%arg10 : memref<128x128xf32, #tpu.memory_space<vmem>>) target(%dma_start3A_76 : memref<10240x128xf32, #tpu.memory_space<vmem_shared>>) offsets(%dma_start3A_73 : memref<128xi32, #tpu.memory_space<vmem>>) semaphore(%run_scoped3A : memref<!tpu.dma_semaphore, #tpu.memory_space<semaphore_mem>>) {add = true}
        %dma_wait3A_77 = arith.constant 0 : i32
        %dma_wait3A_78 = tpu.memref_slice %arg8[%add3A_57, %dma_wait3A_77] : memref<40x128xi32, #tpu.memory_space<vmem>> -> memref<1x128xi32, #tpu.memory_space<vmem>>
        %dma_wait3A_79 = tpu.memref_squeeze %dma_wait3A_78 : memref<1x128xi32, #tpu.memory_space<vmem>> -> memref<128xi32, #tpu.memory_space<vmem>>
        %dma_wait3A_80 = arith.constant 0 : i32
        %dma_wait3A_81 = arith.constant 0 : i32
        %dma_wait3A_82 = tpu.memref_slice %arg11[%dma_wait3A_80, %dma_wait3A_81] : memref<10240x128xf32, #tpu.memory_space<vmem_shared>> -> memref<10240x128xf32, #tpu.memory_space<vmem_shared>>
        tpu.wait_indirect_dma semaphore(%run_scoped3A : memref<!tpu.dma_semaphore, #tpu.memory_space<semaphore_mem>>) src(%arg10 : memref<128x128xf32, #tpu.memory_space<vmem>>) dst(%dma_wait3A_82 : memref<10240x128xf32, #tpu.memory_space<vmem_shared>>)
        tpu.yield
      }) : () -> ()
    }
    %scan3A_34 = arith.constant 20 : i32
    %barrier3A_35 = arith.constant 0 : index
    tpu.barrier barrier_id(%barrier3A_35)
    %mul3A_36 = arith.constant 640 : i32
    %mul3A_37 = arith.muli %arg1, %mul3A_36 : i32
    %mul3A_38 = arith.constant 640 : i32
    %mul3A_39 = arith.muli %arg1, %mul3A_38 : i32
    "tpu.region"() ({
      %run_scoped3A = tpu.sem_alloc : memref<!tpu.dma_semaphore, #tpu.memory_space<semaphore_mem>>
      %dma_start3A_40 = arith.constant 0 : i32
      %dma_start3A_41 = tpu.memref_slice %arg6[%arg0, %mul3A_39, %dma_start3A_40] : memref<2x10240x128xf32, #tpu.memory_space<hbm>> -> memref<1x640x128xf32, #tpu.memory_space<hbm>>
      %dma_start3A_42 = tpu.memref_squeeze %dma_start3A_41 : memref<1x640x128xf32, #tpu.memory_space<hbm>> -> memref<640x128xf32, #tpu.memory_space<hbm>>
      %dma_start3A_43 = arith.constant 0 : i32
      %dma_start3A_44 = tpu.memref_slice %arg11[%mul3A_37, %dma_start3A_43] : memref<10240x128xf32, #tpu.memory_space<vmem_shared>> -> memref<640x128xf32, #tpu.memory_space<vmem_shared>>
      tpu.enqueue_dma source(%dma_start3A_44 : memref<640x128xf32, #tpu.memory_space<vmem_shared>>) target(%dma_start3A_42 : memref<640x128xf32, #tpu.memory_space<hbm>>) target_semaphore(%run_scoped3A : memref<!tpu.dma_semaphore, #tpu.memory_space<semaphore_mem>>)
      %dma_wait3A = arith.constant 0 : i32
      %dma_wait3A_45 = tpu.memref_slice %arg6[%arg0, %mul3A_39, %dma_wait3A] : memref<2x10240x128xf32, #tpu.memory_space<hbm>> -> memref<1x640x128xf32, #tpu.memory_space<hbm>>
      %dma_wait3A_46 = tpu.memref_squeeze %dma_wait3A_45 : memref<1x640x128xf32, #tpu.memory_space<hbm>> -> memref<640x128xf32, #tpu.memory_space<hbm>>
      %dma_wait3A_47 = arith.constant 0 : i32
      %dma_wait3A_48 = tpu.memref_slice %arg11[%mul3A_37, %dma_wait3A_47] : memref<10240x128xf32, #tpu.memory_space<vmem_shared>> -> memref<640x128xf32, #tpu.memory_space<vmem_shared>>
      tpu.wait_dma2 semaphore(%run_scoped3A : memref<!tpu.dma_semaphore, #tpu.memory_space<semaphore_mem>>) src(%dma_wait3A_48 : memref<640x128xf32, #tpu.memory_space<vmem_shared>>) dst(%dma_wait3A_46 : memref<640x128xf32, #tpu.memory_space<hbm>>)
      tpu.yield
    }) : () -> ()
    return
  }
}

#map = affine_map<(d0, d1) -> (0, 0)>
#map1 = affine_map<(d0, d1) -> (0, 0, 0)>
module attributes {stable_mosaic.version = 14 : i64} {
  func.func @_sc_hist(%arg0: i32, %arg1: i32, %arg2: memref<2560x128xi32, #tpu.memory_space<hbm>>, %arg3: memref<640x128xf32, #tpu.memory_space<hbm>>, %arg4: memref<128x128xf32, #tpu.memory_space<hbm>>, %arg5: memref<2x10240x128xf32, #tpu.memory_space<hbm>>, %arg6: memref<80x128xi32, #tpu.memory_space<vmem>>, %arg7: memref<128x128xf32, #tpu.memory_space<vmem>>, %arg8: memref<10240x128xf32, #tpu.memory_space<vmem_shared>>) attributes {dimension_semantics = [#tpu.dimension_semantics<core_parallel>, #tpu.dimension_semantics<subcore_parallel>], iteration_bounds = array<i64: 2, 16>, scalar_prefetch = 0 : i64, scratch_operands = 3 : i64, tpu.core_type = #tpu.core_type<sc_vector_subcore>, window_params = [{transform_indices = #map}, {transform_indices = #map}, {transform_indices = #map}, {transform_indices = #map1}]} {
    %mul3A = arith.constant 16 : i32
    %mul3A_0 = arith.muli %arg0, %mul3A : i32
    %add3A = arith.addi %mul3A_0, %arg1 : i32
    %mul3A_1 = arith.constant 80 : i32
    %mul3A_2 = arith.muli %add3A, %mul3A_1 : i32
    "tpu.region"() ({
      %run_scoped3A = tpu.sem_alloc : memref<!tpu.dma_semaphore, #tpu.memory_space<semaphore_mem>>
      %dma_start3A = arith.constant 0 : i32
      %dma_start3A_15 = tpu.memref_slice %arg2[%mul3A_2, %dma_start3A] : memref<2560x128xi32, #tpu.memory_space<hbm>> -> memref<80x128xi32, #tpu.memory_space<hbm>>
      %dma_start3A_16 = arith.constant 0 : i32
      %dma_start3A_17 = tpu.memref_slice %arg2[%mul3A_2, %dma_start3A_16] : memref<2560x128xi32, #tpu.memory_space<hbm>> -> memref<80x128xi32, #tpu.memory_space<hbm>>
      tpu.enqueue_dma source(%dma_start3A_17 : memref<80x128xi32, #tpu.memory_space<hbm>>) target(%arg6 : memref<80x128xi32, #tpu.memory_space<vmem>>) target_semaphore(%run_scoped3A : memref<!tpu.dma_semaphore, #tpu.memory_space<semaphore_mem>>)
      %dma_wait3A = arith.constant 0 : i32
      %dma_wait3A_18 = tpu.memref_slice %arg2[%mul3A_2, %dma_wait3A] : memref<2560x128xi32, #tpu.memory_space<hbm>> -> memref<80x128xi32, #tpu.memory_space<hbm>>
      %dma_wait3A_19 = arith.constant 0 : i32
      %dma_wait3A_20 = tpu.memref_slice %arg2[%mul3A_2, %dma_wait3A_19] : memref<2560x128xi32, #tpu.memory_space<hbm>> -> memref<80x128xi32, #tpu.memory_space<hbm>>
      tpu.wait_dma2 semaphore(%run_scoped3A : memref<!tpu.dma_semaphore, #tpu.memory_space<semaphore_mem>>) src(%dma_wait3A_20 : memref<80x128xi32, #tpu.memory_space<hbm>>) dst(%arg6 : memref<80x128xi32, #tpu.memory_space<vmem>>)
      tpu.yield
    }) : () -> ()
    "tpu.region"() ({
      %run_scoped3A = tpu.sem_alloc : memref<!tpu.dma_semaphore, #tpu.memory_space<semaphore_mem>>
      tpu.enqueue_dma source(%arg4 : memref<128x128xf32, #tpu.memory_space<hbm>>) target(%arg7 : memref<128x128xf32, #tpu.memory_space<vmem>>) target_semaphore(%run_scoped3A : memref<!tpu.dma_semaphore, #tpu.memory_space<semaphore_mem>>)
      tpu.wait_dma2 semaphore(%run_scoped3A : memref<!tpu.dma_semaphore, #tpu.memory_space<semaphore_mem>>) src(%arg4 : memref<128x128xf32, #tpu.memory_space<hbm>>) dst(%arg7 : memref<128x128xf32, #tpu.memory_space<vmem>>)
      tpu.yield
    }) : () -> ()
    %mul3A_3 = arith.constant 640 : i32
    %mul3A_4 = arith.muli %arg1, %mul3A_3 : i32
    "tpu.region"() ({
      %run_scoped3A = tpu.sem_alloc : memref<!tpu.dma_semaphore, #tpu.memory_space<semaphore_mem>>
      %dma_start3A = arith.constant 0 : i32
      %dma_start3A_15 = tpu.memref_slice %arg8[%mul3A_4, %dma_start3A] : memref<10240x128xf32, #tpu.memory_space<vmem_shared>> -> memref<640x128xf32, #tpu.memory_space<vmem_shared>>
      tpu.enqueue_dma source(%arg3 : memref<640x128xf32, #tpu.memory_space<hbm>>) target(%dma_start3A_15 : memref<640x128xf32, #tpu.memory_space<vmem_shared>>) target_semaphore(%run_scoped3A : memref<!tpu.dma_semaphore, #tpu.memory_space<semaphore_mem>>)
      %dma_wait3A = arith.constant 0 : i32
      %dma_wait3A_16 = tpu.memref_slice %arg8[%mul3A_4, %dma_wait3A] : memref<10240x128xf32, #tpu.memory_space<vmem_shared>> -> memref<640x128xf32, #tpu.memory_space<vmem_shared>>
      tpu.wait_dma2 semaphore(%run_scoped3A : memref<!tpu.dma_semaphore, #tpu.memory_space<semaphore_mem>>) src(%arg3 : memref<640x128xf32, #tpu.memory_space<hbm>>) dst(%dma_wait3A_16 : memref<640x128xf32, #tpu.memory_space<vmem_shared>>)
      tpu.yield
    }) : () -> ()
    %barrier3A = arith.constant 0 : index
    tpu.barrier barrier_id(%barrier3A)
    %scan3A = arith.constant 0 : i32
    %scan3A_5 = arith.constant 0 : i32
    %scan3A_6 = arith.constant 80 : i32
    %scan3A_7 = arith.addi %scan3A_5, %scan3A_6 : i32
    %scan3A_8 = arith.constant 1 : i32
    scf.for %scan3A_15 = %scan3A_5 to %scan3A_7 step %scan3A_8  : i32 {
      "tpu.region"() ({
        %run_scoped3A = tpu.sem_alloc : memref<!tpu.dma_semaphore, #tpu.memory_space<semaphore_mem>>
        %dma_start3A = arith.constant 0 : i32
        %dma_start3A_16 = tpu.memref_slice %arg6[%scan3A_15, %dma_start3A] : memref<80x128xi32, #tpu.memory_space<vmem>> -> memref<1x128xi32, #tpu.memory_space<vmem>>
        %dma_start3A_17 = tpu.memref_squeeze %dma_start3A_16 : memref<1x128xi32, #tpu.memory_space<vmem>> -> memref<128xi32, #tpu.memory_space<vmem>>
        %dma_start3A_18 = arith.constant 0 : i32
        %dma_start3A_19 = arith.constant 0 : i32
        %dma_start3A_20 = tpu.memref_slice %arg8[%dma_start3A_18, %dma_start3A_19] : memref<10240x128xf32, #tpu.memory_space<vmem_shared>> -> memref<10240x128xf32, #tpu.memory_space<vmem_shared>>
        tpu.enqueue_indirect_dma source(%arg7 : memref<128x128xf32, #tpu.memory_space<vmem>>) target(%dma_start3A_20 : memref<10240x128xf32, #tpu.memory_space<vmem_shared>>) offsets(%dma_start3A_17 : memref<128xi32, #tpu.memory_space<vmem>>) semaphore(%run_scoped3A : memref<!tpu.dma_semaphore, #tpu.memory_space<semaphore_mem>>) {add = true}
        %dma_wait3A = arith.constant 0 : i32
        %dma_wait3A_21 = tpu.memref_slice %arg6[%scan3A_15, %dma_wait3A] : memref<80x128xi32, #tpu.memory_space<vmem>> -> memref<1x128xi32, #tpu.memory_space<vmem>>
        %dma_wait3A_22 = tpu.memref_squeeze %dma_wait3A_21 : memref<1x128xi32, #tpu.memory_space<vmem>> -> memref<128xi32, #tpu.memory_space<vmem>>
        %dma_wait3A_23 = arith.constant 0 : i32
        %dma_wait3A_24 = arith.constant 0 : i32
        %dma_wait3A_25 = tpu.memref_slice %arg8[%dma_wait3A_23, %dma_wait3A_24] : memref<10240x128xf32, #tpu.memory_space<vmem_shared>> -> memref<10240x128xf32, #tpu.memory_space<vmem_shared>>
        tpu.wait_indirect_dma semaphore(%run_scoped3A : memref<!tpu.dma_semaphore, #tpu.memory_space<semaphore_mem>>) src(%arg7 : memref<128x128xf32, #tpu.memory_space<vmem>>) dst(%dma_wait3A_25 : memref<10240x128xf32, #tpu.memory_space<vmem_shared>>)
        tpu.yield
      }) : () -> ()
    }
    %scan3A_9 = arith.constant 80 : i32
    %barrier3A_10 = arith.constant 0 : index
    tpu.barrier barrier_id(%barrier3A_10)
    %mul3A_11 = arith.constant 640 : i32
    %mul3A_12 = arith.muli %arg1, %mul3A_11 : i32
    %mul3A_13 = arith.constant 640 : i32
    %mul3A_14 = arith.muli %arg1, %mul3A_13 : i32
    "tpu.region"() ({
      %run_scoped3A = tpu.sem_alloc : memref<!tpu.dma_semaphore, #tpu.memory_space<semaphore_mem>>
      %dma_start3A = arith.constant 0 : i32
      %dma_start3A_15 = tpu.memref_slice %arg5[%arg0, %mul3A_14, %dma_start3A] : memref<2x10240x128xf32, #tpu.memory_space<hbm>> -> memref<1x640x128xf32, #tpu.memory_space<hbm>>
      %dma_start3A_16 = tpu.memref_squeeze %dma_start3A_15 : memref<1x640x128xf32, #tpu.memory_space<hbm>> -> memref<640x128xf32, #tpu.memory_space<hbm>>
      %dma_start3A_17 = arith.constant 0 : i32
      %dma_start3A_18 = tpu.memref_slice %arg8[%mul3A_12, %dma_start3A_17] : memref<10240x128xf32, #tpu.memory_space<vmem_shared>> -> memref<640x128xf32, #tpu.memory_space<vmem_shared>>
      tpu.enqueue_dma source(%dma_start3A_18 : memref<640x128xf32, #tpu.memory_space<vmem_shared>>) target(%dma_start3A_16 : memref<640x128xf32, #tpu.memory_space<hbm>>) target_semaphore(%run_scoped3A : memref<!tpu.dma_semaphore, #tpu.memory_space<semaphore_mem>>)
      %dma_wait3A = arith.constant 0 : i32
      %dma_wait3A_19 = tpu.memref_slice %arg5[%arg0, %mul3A_14, %dma_wait3A] : memref<2x10240x128xf32, #tpu.memory_space<hbm>> -> memref<1x640x128xf32, #tpu.memory_space<hbm>>
      %dma_wait3A_20 = tpu.memref_squeeze %dma_wait3A_19 : memref<1x640x128xf32, #tpu.memory_space<hbm>> -> memref<640x128xf32, #tpu.memory_space<hbm>>
      %dma_wait3A_21 = arith.constant 0 : i32
      %dma_wait3A_22 = tpu.memref_slice %arg8[%mul3A_12, %dma_wait3A_21] : memref<10240x128xf32, #tpu.memory_space<vmem_shared>> -> memref<640x128xf32, #tpu.memory_space<vmem_shared>>
      tpu.wait_dma2 semaphore(%run_scoped3A : memref<!tpu.dma_semaphore, #tpu.memory_space<semaphore_mem>>) src(%dma_wait3A_22 : memref<640x128xf32, #tpu.memory_space<vmem_shared>>) dst(%dma_wait3A_20 : memref<640x128xf32, #tpu.memory_space<hbm>>)
      tpu.yield
    }) : () -> ()
    return
  }
}

#map = affine_map<(d0, d1) -> (0, 0)>
#map1 = affine_map<(d0, d1) -> (0, 0, 0)>
module attributes {stable_mosaic.version = 14 : i64} {
  func.func @_sc_scatter(%arg0: i32, %arg1: i32, %arg2: memref<10240x128xf32, #tpu.memory_space<hbm>>, %arg3: memref<2560x128xi32, #tpu.memory_space<hbm>>, %arg4: memref<2560x128xi32, #tpu.memory_space<hbm>>, %arg5: memref<640x128xf32, #tpu.memory_space<hbm>>, %arg6: memref<2x10240x128xf32, #tpu.memory_space<hbm>>, %arg7: memref<40x128xi32, #tpu.memory_space<vmem>>, %arg8: memref<40x128xi32, #tpu.memory_space<vmem>>, %arg9: memref<128x128xf32, #tpu.memory_space<vmem>>, %arg10: memref<128x128xf32, #tpu.memory_space<vmem>>, %arg11: memref<10240x128xf32, #tpu.memory_space<vmem_shared>>, %arg12: memref<!tpu.dma_semaphore, #tpu.memory_space<semaphore_mem>>, %arg13: memref<!tpu.dma_semaphore, #tpu.memory_space<semaphore_mem>>) attributes {dimension_semantics = [#tpu.dimension_semantics<core_parallel>, #tpu.dimension_semantics<subcore_parallel>], iteration_bounds = array<i64: 2, 16>, scalar_prefetch = 0 : i64, scratch_operands = 7 : i64, tpu.core_type = #tpu.core_type<sc_vector_subcore>, window_params = [{transform_indices = #map}, {transform_indices = #map}, {transform_indices = #map}, {transform_indices = #map}, {transform_indices = #map1}]} {
    %mul3A = arith.constant 16 : i32
    %mul3A_0 = arith.muli %arg0, %mul3A : i32
    %add3A = arith.addi %mul3A_0, %arg1 : i32
    %mul3A_1 = arith.constant 640 : i32
    %mul3A_2 = arith.muli %arg1, %mul3A_1 : i32
    "tpu.region"() ({
      %run_scoped3A = tpu.sem_alloc : memref<!tpu.dma_semaphore, #tpu.memory_space<semaphore_mem>>
      %dma_start3A_40 = arith.constant 0 : i32
      %dma_start3A_41 = tpu.memref_slice %arg11[%mul3A_2, %dma_start3A_40] : memref<10240x128xf32, #tpu.memory_space<vmem_shared>> -> memref<640x128xf32, #tpu.memory_space<vmem_shared>>
      tpu.enqueue_dma source(%arg5 : memref<640x128xf32, #tpu.memory_space<hbm>>) target(%dma_start3A_41 : memref<640x128xf32, #tpu.memory_space<vmem_shared>>) target_semaphore(%run_scoped3A : memref<!tpu.dma_semaphore, #tpu.memory_space<semaphore_mem>>)
      %dma_wait3A = arith.constant 0 : i32
      %dma_wait3A_42 = tpu.memref_slice %arg11[%mul3A_2, %dma_wait3A] : memref<10240x128xf32, #tpu.memory_space<vmem_shared>> -> memref<640x128xf32, #tpu.memory_space<vmem_shared>>
      tpu.wait_dma2 semaphore(%run_scoped3A : memref<!tpu.dma_semaphore, #tpu.memory_space<semaphore_mem>>) src(%arg5 : memref<640x128xf32, #tpu.memory_space<hbm>>) dst(%dma_wait3A_42 : memref<640x128xf32, #tpu.memory_space<vmem_shared>>)
      tpu.yield
    }) : () -> ()
    %barrier3A = arith.constant 0 : index
    tpu.barrier barrier_id(%barrier3A)
    %mul3A_3 = arith.constant 80 : i32
    %mul3A_4 = arith.muli %add3A, %mul3A_3 : i32
    %add3A_5 = arith.constant 0 : i32
    %add3A_6 = arith.addi %mul3A_4, %add3A_5 : i32
    "tpu.region"() ({
      %run_scoped3A = tpu.sem_alloc : memref<!tpu.dma_semaphore, #tpu.memory_space<semaphore_mem>>
      %dma_start3A_40 = arith.constant 0 : i32
      %dma_start3A_41 = tpu.memref_slice %arg3[%add3A_6, %dma_start3A_40] : memref<2560x128xi32, #tpu.memory_space<hbm>> -> memref<40x128xi32, #tpu.memory_space<hbm>>
      %dma_start3A_42 = arith.constant 0 : i32
      %dma_start3A_43 = tpu.memref_slice %arg3[%add3A_6, %dma_start3A_42] : memref<2560x128xi32, #tpu.memory_space<hbm>> -> memref<40x128xi32, #tpu.memory_space<hbm>>
      tpu.enqueue_dma source(%dma_start3A_43 : memref<40x128xi32, #tpu.memory_space<hbm>>) target(%arg7 : memref<40x128xi32, #tpu.memory_space<vmem>>) target_semaphore(%run_scoped3A : memref<!tpu.dma_semaphore, #tpu.memory_space<semaphore_mem>>)
      %dma_wait3A = arith.constant 0 : i32
      %dma_wait3A_44 = tpu.memref_slice %arg3[%add3A_6, %dma_wait3A] : memref<2560x128xi32, #tpu.memory_space<hbm>> -> memref<40x128xi32, #tpu.memory_space<hbm>>
      %dma_wait3A_45 = arith.constant 0 : i32
      %dma_wait3A_46 = tpu.memref_slice %arg3[%add3A_6, %dma_wait3A_45] : memref<2560x128xi32, #tpu.memory_space<hbm>> -> memref<40x128xi32, #tpu.memory_space<hbm>>
      tpu.wait_dma2 semaphore(%run_scoped3A : memref<!tpu.dma_semaphore, #tpu.memory_space<semaphore_mem>>) src(%dma_wait3A_46 : memref<40x128xi32, #tpu.memory_space<hbm>>) dst(%arg7 : memref<40x128xi32, #tpu.memory_space<vmem>>)
      tpu.yield
    }) : () -> ()
    "tpu.region"() ({
      %run_scoped3A = tpu.sem_alloc : memref<!tpu.dma_semaphore, #tpu.memory_space<semaphore_mem>>
      %dma_start3A_40 = arith.constant 0 : i32
      %dma_start3A_41 = tpu.memref_slice %arg4[%add3A_6, %dma_start3A_40] : memref<2560x128xi32, #tpu.memory_space<hbm>> -> memref<40x128xi32, #tpu.memory_space<hbm>>
      %dma_start3A_42 = arith.constant 0 : i32
      %dma_start3A_43 = tpu.memref_slice %arg4[%add3A_6, %dma_start3A_42] : memref<2560x128xi32, #tpu.memory_space<hbm>> -> memref<40x128xi32, #tpu.memory_space<hbm>>
      tpu.enqueue_dma source(%dma_start3A_43 : memref<40x128xi32, #tpu.memory_space<hbm>>) target(%arg8 : memref<40x128xi32, #tpu.memory_space<vmem>>) target_semaphore(%run_scoped3A : memref<!tpu.dma_semaphore, #tpu.memory_space<semaphore_mem>>)
      %dma_wait3A = arith.constant 0 : i32
      %dma_wait3A_44 = tpu.memref_slice %arg4[%add3A_6, %dma_wait3A] : memref<2560x128xi32, #tpu.memory_space<hbm>> -> memref<40x128xi32, #tpu.memory_space<hbm>>
      %dma_wait3A_45 = arith.constant 0 : i32
      %dma_wait3A_46 = tpu.memref_slice %arg4[%add3A_6, %dma_wait3A_45] : memref<2560x128xi32, #tpu.memory_space<hbm>> -> memref<40x128xi32, #tpu.memory_space<hbm>>
      tpu.wait_dma2 semaphore(%run_scoped3A : memref<!tpu.dma_semaphore, #tpu.memory_space<semaphore_mem>>) src(%dma_wait3A_46 : memref<40x128xi32, #tpu.memory_space<hbm>>) dst(%arg8 : memref<40x128xi32, #tpu.memory_space<vmem>>)
      tpu.yield
    }) : () -> ()
    %dma_start3A = arith.constant 0 : i32
    %dma_start3A_7 = arith.constant 0 : i32
    %dma_start3A_8 = tpu.memref_slice %arg7[%dma_start3A, %dma_start3A_7] : memref<40x128xi32, #tpu.memory_space<vmem>> -> memref<1x128xi32, #tpu.memory_space<vmem>>
    %dma_start3A_9 = tpu.memref_squeeze %dma_start3A_8 : memref<1x128xi32, #tpu.memory_space<vmem>> -> memref<128xi32, #tpu.memory_space<vmem>>
    %dma_start3A_10 = arith.constant 0 : i32
    %dma_start3A_11 = arith.constant 0 : i32
    %dma_start3A_12 = tpu.memref_slice %arg2[%dma_start3A_10, %dma_start3A_11] : memref<10240x128xf32, #tpu.memory_space<hbm>> -> memref<10240x128xf32, #tpu.memory_space<hbm>>
    tpu.enqueue_indirect_dma source(%dma_start3A_12 : memref<10240x128xf32, #tpu.memory_space<hbm>>) target(%arg9 : memref<128x128xf32, #tpu.memory_space<vmem>>) offsets(%dma_start3A_9 : memref<128xi32, #tpu.memory_space<vmem>>) semaphore(%arg12 : memref<!tpu.dma_semaphore, #tpu.memory_space<semaphore_mem>>)
    %scan3A = arith.constant 0 : i32
    %scan3A_13 = arith.constant 0 : i32
    %scan3A_14 = arith.constant 20 : i32
    %scan3A_15 = arith.addi %scan3A_13, %scan3A_14 : i32
    %scan3A_16 = arith.constant 1 : i32
    scf.for %scan3A_40 = %scan3A_13 to %scan3A_15 step %scan3A_16  : i32 {
      %mul3A_41 = arith.constant 2 : i32
      %mul3A_42 = arith.muli %mul3A_41, %scan3A_40 : i32
      %add3A_43 = arith.constant 0 : i32
      %add3A_44 = arith.addi %mul3A_42, %add3A_43 : i32
      %add3A_45 = arith.constant 1 : i32
      %add3A_46 = arith.addi %add3A_44, %add3A_45 : i32
      %lt3A = arith.constant 40 : i32
      %lt3A_47 = arith.cmpi slt, %add3A_46, %lt3A : i32
      %convert_element_type3A = arith.extui %lt3A_47 : i1 to i32
      %cond3A = arith.constant 0 : i32
      %cond3A_48 = arith.cmpi ne, %convert_element_type3A, %cond3A : i32
      scf.if %cond3A_48 {
        %add3A_71 = arith.constant 1 : i32
        %add3A_72 = arith.addi %add3A_44, %add3A_71 : i32
        %dma_start3A_73 = arith.constant 0 : i32
        %dma_start3A_74 = tpu.memref_slice %arg7[%add3A_72, %dma_start3A_73] : memref<40x128xi32, #tpu.memory_space<vmem>> -> memref<1x128xi32, #tpu.memory_space<vmem>>
        %dma_start3A_75 = tpu.memref_squeeze %dma_start3A_74 : memref<1x128xi32, #tpu.memory_space<vmem>> -> memref<128xi32, #tpu.memory_space<vmem>>
        %dma_start3A_76 = arith.constant 0 : i32
        %dma_start3A_77 = arith.constant 0 : i32
        %dma_start3A_78 = tpu.memref_slice %arg2[%dma_start3A_76, %dma_start3A_77] : memref<10240x128xf32, #tpu.memory_space<hbm>> -> memref<10240x128xf32, #tpu.memory_space<hbm>>
        tpu.enqueue_indirect_dma source(%dma_start3A_78 : memref<10240x128xf32, #tpu.memory_space<hbm>>) target(%arg10 : memref<128x128xf32, #tpu.memory_space<vmem>>) offsets(%dma_start3A_75 : memref<128xi32, #tpu.memory_space<vmem>>) semaphore(%arg13 : memref<!tpu.dma_semaphore, #tpu.memory_space<semaphore_mem>>)
      } else {
      }
      %dma_wait3A = arith.constant 0 : i32
      %dma_wait3A_49 = tpu.memref_slice %arg7[%add3A_44, %dma_wait3A] : memref<40x128xi32, #tpu.memory_space<vmem>> -> memref<1x128xi32, #tpu.memory_space<vmem>>
      %dma_wait3A_50 = tpu.memref_squeeze %dma_wait3A_49 : memref<1x128xi32, #tpu.memory_space<vmem>> -> memref<128xi32, #tpu.memory_space<vmem>>
      %dma_wait3A_51 = arith.constant 0 : i32
      %dma_wait3A_52 = arith.constant 0 : i32
      %dma_wait3A_53 = tpu.memref_slice %arg2[%dma_wait3A_51, %dma_wait3A_52] : memref<10240x128xf32, #tpu.memory_space<hbm>> -> memref<10240x128xf32, #tpu.memory_space<hbm>>
      tpu.wait_indirect_dma semaphore(%arg12 : memref<!tpu.dma_semaphore, #tpu.memory_space<semaphore_mem>>) src(%dma_wait3A_53 : memref<10240x128xf32, #tpu.memory_space<hbm>>) dst(%arg9 : memref<128x128xf32, #tpu.memory_space<vmem>>)
      "tpu.region"() ({
        %run_scoped3A = tpu.sem_alloc : memref<!tpu.dma_semaphore, #tpu.memory_space<semaphore_mem>>
        %dma_start3A_71 = arith.constant 0 : i32
        %dma_start3A_72 = tpu.memref_slice %arg8[%add3A_44, %dma_start3A_71] : memref<40x128xi32, #tpu.memory_space<vmem>> -> memref<1x128xi32, #tpu.memory_space<vmem>>
        %dma_start3A_73 = tpu.memref_squeeze %dma_start3A_72 : memref<1x128xi32, #tpu.memory_space<vmem>> -> memref<128xi32, #tpu.memory_space<vmem>>
        %dma_start3A_74 = arith.constant 0 : i32
        %dma_start3A_75 = arith.constant 0 : i32
        %dma_start3A_76 = tpu.memref_slice %arg11[%dma_start3A_74, %dma_start3A_75] : memref<10240x128xf32, #tpu.memory_space<vmem_shared>> -> memref<10240x128xf32, #tpu.memory_space<vmem_shared>>
        tpu.enqueue_indirect_dma source(%arg9 : memref<128x128xf32, #tpu.memory_space<vmem>>) target(%dma_start3A_76 : memref<10240x128xf32, #tpu.memory_space<vmem_shared>>) offsets(%dma_start3A_73 : memref<128xi32, #tpu.memory_space<vmem>>) semaphore(%run_scoped3A : memref<!tpu.dma_semaphore, #tpu.memory_space<semaphore_mem>>) {add = true}
        %dma_wait3A_77 = arith.constant 0 : i32
        %dma_wait3A_78 = tpu.memref_slice %arg8[%add3A_44, %dma_wait3A_77] : memref<40x128xi32, #tpu.memory_space<vmem>> -> memref<1x128xi32, #tpu.memory_space<vmem>>
        %dma_wait3A_79 = tpu.memref_squeeze %dma_wait3A_78 : memref<1x128xi32, #tpu.memory_space<vmem>> -> memref<128xi32, #tpu.memory_space<vmem>>
        %dma_wait3A_80 = arith.constant 0 : i32
        %dma_wait3A_81 = arith.constant 0 : i32
        %dma_wait3A_82 = tpu.memref_slice %arg11[%dma_wait3A_80, %dma_wait3A_81] : memref<10240x128xf32, #tpu.memory_space<vmem_shared>> -> memref<10240x128xf32, #tpu.memory_space<vmem_shared>>
        tpu.wait_indirect_dma semaphore(%run_scoped3A : memref<!tpu.dma_semaphore, #tpu.memory_space<semaphore_mem>>) src(%arg9 : memref<128x128xf32, #tpu.memory_space<vmem>>) dst(%dma_wait3A_82 : memref<10240x128xf32, #tpu.memory_space<vmem_shared>>)
        tpu.yield
      }) : () -> ()
      %mul3A_54 = arith.constant 2 : i32
      %mul3A_55 = arith.muli %mul3A_54, %scan3A_40 : i32
      %add3A_56 = arith.constant 1 : i32
      %add3A_57 = arith.addi %mul3A_55, %add3A_56 : i32
      %add3A_58 = arith.constant 1 : i32
      %add3A_59 = arith.addi %add3A_57, %add3A_58 : i32
      %lt3A_60 = arith.constant 40 : i32
      %lt3A_61 = arith.cmpi slt, %add3A_59, %lt3A_60 : i32
      %convert_element_type3A_62 = arith.extui %lt3A_61 : i1 to i32
      %cond3A_63 = arith.constant 0 : i32
      %cond3A_64 = arith.cmpi ne, %convert_element_type3A_62, %cond3A_63 : i32
      scf.if %cond3A_64 {
        %add3A_71 = arith.constant 1 : i32
        %add3A_72 = arith.addi %add3A_57, %add3A_71 : i32
        %dma_start3A_73 = arith.constant 0 : i32
        %dma_start3A_74 = tpu.memref_slice %arg7[%add3A_72, %dma_start3A_73] : memref<40x128xi32, #tpu.memory_space<vmem>> -> memref<1x128xi32, #tpu.memory_space<vmem>>
        %dma_start3A_75 = tpu.memref_squeeze %dma_start3A_74 : memref<1x128xi32, #tpu.memory_space<vmem>> -> memref<128xi32, #tpu.memory_space<vmem>>
        %dma_start3A_76 = arith.constant 0 : i32
        %dma_start3A_77 = arith.constant 0 : i32
        %dma_start3A_78 = tpu.memref_slice %arg2[%dma_start3A_76, %dma_start3A_77] : memref<10240x128xf32, #tpu.memory_space<hbm>> -> memref<10240x128xf32, #tpu.memory_space<hbm>>
        tpu.enqueue_indirect_dma source(%dma_start3A_78 : memref<10240x128xf32, #tpu.memory_space<hbm>>) target(%arg9 : memref<128x128xf32, #tpu.memory_space<vmem>>) offsets(%dma_start3A_75 : memref<128xi32, #tpu.memory_space<vmem>>) semaphore(%arg12 : memref<!tpu.dma_semaphore, #tpu.memory_space<semaphore_mem>>)
      } else {
      }
      %dma_wait3A_65 = arith.constant 0 : i32
      %dma_wait3A_66 = tpu.memref_slice %arg7[%add3A_57, %dma_wait3A_65] : memref<40x128xi32, #tpu.memory_space<vmem>> -> memref<1x128xi32, #tpu.memory_space<vmem>>
      %dma_wait3A_67 = tpu.memref_squeeze %dma_wait3A_66 : memref<1x128xi32, #tpu.memory_space<vmem>> -> memref<128xi32, #tpu.memory_space<vmem>>
      %dma_wait3A_68 = arith.constant 0 : i32
      %dma_wait3A_69 = arith.constant 0 : i32
      %dma_wait3A_70 = tpu.memref_slice %arg2[%dma_wait3A_68, %dma_wait3A_69] : memref<10240x128xf32, #tpu.memory_space<hbm>> -> memref<10240x128xf32, #tpu.memory_space<hbm>>
      tpu.wait_indirect_dma semaphore(%arg13 : memref<!tpu.dma_semaphore, #tpu.memory_space<semaphore_mem>>) src(%dma_wait3A_70 : memref<10240x128xf32, #tpu.memory_space<hbm>>) dst(%arg10 : memref<128x128xf32, #tpu.memory_space<vmem>>)
      "tpu.region"() ({
        %run_scoped3A = tpu.sem_alloc : memref<!tpu.dma_semaphore, #tpu.memory_space<semaphore_mem>>
        %dma_start3A_71 = arith.constant 0 : i32
        %dma_start3A_72 = tpu.memref_slice %arg8[%add3A_57, %dma_start3A_71] : memref<40x128xi32, #tpu.memory_space<vmem>> -> memref<1x128xi32, #tpu.memory_space<vmem>>
        %dma_start3A_73 = tpu.memref_squeeze %dma_start3A_72 : memref<1x128xi32, #tpu.memory_space<vmem>> -> memref<128xi32, #tpu.memory_space<vmem>>
        %dma_start3A_74 = arith.constant 0 : i32
        %dma_start3A_75 = arith.constant 0 : i32
        %dma_start3A_76 = tpu.memref_slice %arg11[%dma_start3A_74, %dma_start3A_75] : memref<10240x128xf32, #tpu.memory_space<vmem_shared>> -> memref<10240x128xf32, #tpu.memory_space<vmem_shared>>
        tpu.enqueue_indirect_dma source(%arg10 : memref<128x128xf32, #tpu.memory_space<vmem>>) target(%dma_start3A_76 : memref<10240x128xf32, #tpu.memory_space<vmem_shared>>) offsets(%dma_start3A_73 : memref<128xi32, #tpu.memory_space<vmem>>) semaphore(%run_scoped3A : memref<!tpu.dma_semaphore, #tpu.memory_space<semaphore_mem>>) {add = true}
        %dma_wait3A_77 = arith.constant 0 : i32
        %dma_wait3A_78 = tpu.memref_slice %arg8[%add3A_57, %dma_wait3A_77] : memref<40x128xi32, #tpu.memory_space<vmem>> -> memref<1x128xi32, #tpu.memory_space<vmem>>
        %dma_wait3A_79 = tpu.memref_squeeze %dma_wait3A_78 : memref<1x128xi32, #tpu.memory_space<vmem>> -> memref<128xi32, #tpu.memory_space<vmem>>
        %dma_wait3A_80 = arith.constant 0 : i32
        %dma_wait3A_81 = arith.constant 0 : i32
        %dma_wait3A_82 = tpu.memref_slice %arg11[%dma_wait3A_80, %dma_wait3A_81] : memref<10240x128xf32, #tpu.memory_space<vmem_shared>> -> memref<10240x128xf32, #tpu.memory_space<vmem_shared>>
        tpu.wait_indirect_dma semaphore(%run_scoped3A : memref<!tpu.dma_semaphore, #tpu.memory_space<semaphore_mem>>) src(%arg10 : memref<128x128xf32, #tpu.memory_space<vmem>>) dst(%dma_wait3A_82 : memref<10240x128xf32, #tpu.memory_space<vmem_shared>>)
        tpu.yield
      }) : () -> ()
    }
    %scan3A_17 = arith.constant 20 : i32
    %mul3A_18 = arith.constant 80 : i32
    %mul3A_19 = arith.muli %add3A, %mul3A_18 : i32
    %add3A_20 = arith.constant 40 : i32
    %add3A_21 = arith.addi %mul3A_19, %add3A_20 : i32
    "tpu.region"() ({
      %run_scoped3A = tpu.sem_alloc : memref<!tpu.dma_semaphore, #tpu.memory_space<semaphore_mem>>
      %dma_start3A_40 = arith.constant 0 : i32
      %dma_start3A_41 = tpu.memref_slice %arg3[%add3A_21, %dma_start3A_40] : memref<2560x128xi32, #tpu.memory_space<hbm>> -> memref<40x128xi32, #tpu.memory_space<hbm>>
      %dma_start3A_42 = arith.constant 0 : i32
      %dma_start3A_43 = tpu.memref_slice %arg3[%add3A_21, %dma_start3A_42] : memref<2560x128xi32, #tpu.memory_space<hbm>> -> memref<40x128xi32, #tpu.memory_space<hbm>>
      tpu.enqueue_dma source(%dma_start3A_43 : memref<40x128xi32, #tpu.memory_space<hbm>>) target(%arg7 : memref<40x128xi32, #tpu.memory_space<vmem>>) target_semaphore(%run_scoped3A : memref<!tpu.dma_semaphore, #tpu.memory_space<semaphore_mem>>)
      %dma_wait3A = arith.constant 0 : i32
      %dma_wait3A_44 = tpu.memref_slice %arg3[%add3A_21, %dma_wait3A] : memref<2560x128xi32, #tpu.memory_space<hbm>> -> memref<40x128xi32, #tpu.memory_space<hbm>>
      %dma_wait3A_45 = arith.constant 0 : i32
      %dma_wait3A_46 = tpu.memref_slice %arg3[%add3A_21, %dma_wait3A_45] : memref<2560x128xi32, #tpu.memory_space<hbm>> -> memref<40x128xi32, #tpu.memory_space<hbm>>
      tpu.wait_dma2 semaphore(%run_scoped3A : memref<!tpu.dma_semaphore, #tpu.memory_space<semaphore_mem>>) src(%dma_wait3A_46 : memref<40x128xi32, #tpu.memory_space<hbm>>) dst(%arg7 : memref<40x128xi32, #tpu.memory_space<vmem>>)
      tpu.yield
    }) : () -> ()
    "tpu.region"() ({
      %run_scoped3A = tpu.sem_alloc : memref<!tpu.dma_semaphore, #tpu.memory_space<semaphore_mem>>
      %dma_start3A_40 = arith.constant 0 : i32
      %dma_start3A_41 = tpu.memref_slice %arg4[%add3A_21, %dma_start3A_40] : memref<2560x128xi32, #tpu.memory_space<hbm>> -> memref<40x128xi32, #tpu.memory_space<hbm>>
      %dma_start3A_42 = arith.constant 0 : i32
      %dma_start3A_43 = tpu.memref_slice %arg4[%add3A_21, %dma_start3A_42] : memref<2560x128xi32, #tpu.memory_space<hbm>> -> memref<40x128xi32, #tpu.memory_space<hbm>>
      tpu.enqueue_dma source(%dma_start3A_43 : memref<40x128xi32, #tpu.memory_space<hbm>>) target(%arg8 : memref<40x128xi32, #tpu.memory_space<vmem>>) target_semaphore(%run_scoped3A : memref<!tpu.dma_semaphore, #tpu.memory_space<semaphore_mem>>)
      %dma_wait3A = arith.constant 0 : i32
      %dma_wait3A_44 = tpu.memref_slice %arg4[%add3A_21, %dma_wait3A] : memref<2560x128xi32, #tpu.memory_space<hbm>> -> memref<40x128xi32, #tpu.memory_space<hbm>>
      %dma_wait3A_45 = arith.constant 0 : i32
      %dma_wait3A_46 = tpu.memref_slice %arg4[%add3A_21, %dma_wait3A_45] : memref<2560x128xi32, #tpu.memory_space<hbm>> -> memref<40x128xi32, #tpu.memory_space<hbm>>
      tpu.wait_dma2 semaphore(%run_scoped3A : memref<!tpu.dma_semaphore, #tpu.memory_space<semaphore_mem>>) src(%dma_wait3A_46 : memref<40x128xi32, #tpu.memory_space<hbm>>) dst(%arg8 : memref<40x128xi32, #tpu.memory_space<vmem>>)
      tpu.yield
    }) : () -> ()
    %dma_start3A_22 = arith.constant 0 : i32
    %dma_start3A_23 = arith.constant 0 : i32
    %dma_start3A_24 = tpu.memref_slice %arg7[%dma_start3A_22, %dma_start3A_23] : memref<40x128xi32, #tpu.memory_space<vmem>> -> memref<1x128xi32, #tpu.memory_space<vmem>>
    %dma_start3A_25 = tpu.memref_squeeze %dma_start3A_24 : memref<1x128xi32, #tpu.memory_space<vmem>> -> memref<128xi32, #tpu.memory_space<vmem>>
    %dma_start3A_26 = arith.constant 0 : i32
    %dma_start3A_27 = arith.constant 0 : i32
    %dma_start3A_28 = tpu.memref_slice %arg2[%dma_start3A_26, %dma_start3A_27] : memref<10240x128xf32, #tpu.memory_space<hbm>> -> memref<10240x128xf32, #tpu.memory_space<hbm>>
    tpu.enqueue_indirect_dma source(%dma_start3A_28 : memref<10240x128xf32, #tpu.memory_space<hbm>>) target(%arg9 : memref<128x128xf32, #tpu.memory_space<vmem>>) offsets(%dma_start3A_25 : memref<128xi32, #tpu.memory_space<vmem>>) semaphore(%arg12 : memref<!tpu.dma_semaphore, #tpu.memory_space<semaphore_mem>>)
    %scan3A_29 = arith.constant 0 : i32
    %scan3A_30 = arith.constant 0 : i32
    %scan3A_31 = arith.constant 20 : i32
    %scan3A_32 = arith.addi %scan3A_30, %scan3A_31 : i32
    %scan3A_33 = arith.constant 1 : i32
    scf.for %scan3A_40 = %scan3A_30 to %scan3A_32 step %scan3A_33  : i32 {
      %mul3A_41 = arith.constant 2 : i32
      %mul3A_42 = arith.muli %mul3A_41, %scan3A_40 : i32
      %add3A_43 = arith.constant 0 : i32
      %add3A_44 = arith.addi %mul3A_42, %add3A_43 : i32
      %add3A_45 = arith.constant 1 : i32
      %add3A_46 = arith.addi %add3A_44, %add3A_45 : i32
      %lt3A = arith.constant 40 : i32
      %lt3A_47 = arith.cmpi slt, %add3A_46, %lt3A : i32
      %convert_element_type3A = arith.extui %lt3A_47 : i1 to i32
      %cond3A = arith.constant 0 : i32
      %cond3A_48 = arith.cmpi ne, %convert_element_type3A, %cond3A : i32
      scf.if %cond3A_48 {
        %add3A_71 = arith.constant 1 : i32
        %add3A_72 = arith.addi %add3A_44, %add3A_71 : i32
        %dma_start3A_73 = arith.constant 0 : i32
        %dma_start3A_74 = tpu.memref_slice %arg7[%add3A_72, %dma_start3A_73] : memref<40x128xi32, #tpu.memory_space<vmem>> -> memref<1x128xi32, #tpu.memory_space<vmem>>
        %dma_start3A_75 = tpu.memref_squeeze %dma_start3A_74 : memref<1x128xi32, #tpu.memory_space<vmem>> -> memref<128xi32, #tpu.memory_space<vmem>>
        %dma_start3A_76 = arith.constant 0 : i32
        %dma_start3A_77 = arith.constant 0 : i32
        %dma_start3A_78 = tpu.memref_slice %arg2[%dma_start3A_76, %dma_start3A_77] : memref<10240x128xf32, #tpu.memory_space<hbm>> -> memref<10240x128xf32, #tpu.memory_space<hbm>>
        tpu.enqueue_indirect_dma source(%dma_start3A_78 : memref<10240x128xf32, #tpu.memory_space<hbm>>) target(%arg10 : memref<128x128xf32, #tpu.memory_space<vmem>>) offsets(%dma_start3A_75 : memref<128xi32, #tpu.memory_space<vmem>>) semaphore(%arg13 : memref<!tpu.dma_semaphore, #tpu.memory_space<semaphore_mem>>)
      } else {
      }
      %dma_wait3A = arith.constant 0 : i32
      %dma_wait3A_49 = tpu.memref_slice %arg7[%add3A_44, %dma_wait3A] : memref<40x128xi32, #tpu.memory_space<vmem>> -> memref<1x128xi32, #tpu.memory_space<vmem>>
      %dma_wait3A_50 = tpu.memref_squeeze %dma_wait3A_49 : memref<1x128xi32, #tpu.memory_space<vmem>> -> memref<128xi32, #tpu.memory_space<vmem>>
      %dma_wait3A_51 = arith.constant 0 : i32
      %dma_wait3A_52 = arith.constant 0 : i32
      %dma_wait3A_53 = tpu.memref_slice %arg2[%dma_wait3A_51, %dma_wait3A_52] : memref<10240x128xf32, #tpu.memory_space<hbm>> -> memref<10240x128xf32, #tpu.memory_space<hbm>>
      tpu.wait_indirect_dma semaphore(%arg12 : memref<!tpu.dma_semaphore, #tpu.memory_space<semaphore_mem>>) src(%dma_wait3A_53 : memref<10240x128xf32, #tpu.memory_space<hbm>>) dst(%arg9 : memref<128x128xf32, #tpu.memory_space<vmem>>)
      "tpu.region"() ({
        %run_scoped3A = tpu.sem_alloc : memref<!tpu.dma_semaphore, #tpu.memory_space<semaphore_mem>>
        %dma_start3A_71 = arith.constant 0 : i32
        %dma_start3A_72 = tpu.memref_slice %arg8[%add3A_44, %dma_start3A_71] : memref<40x128xi32, #tpu.memory_space<vmem>> -> memref<1x128xi32, #tpu.memory_space<vmem>>
        %dma_start3A_73 = tpu.memref_squeeze %dma_start3A_72 : memref<1x128xi32, #tpu.memory_space<vmem>> -> memref<128xi32, #tpu.memory_space<vmem>>
        %dma_start3A_74 = arith.constant 0 : i32
        %dma_start3A_75 = arith.constant 0 : i32
        %dma_start3A_76 = tpu.memref_slice %arg11[%dma_start3A_74, %dma_start3A_75] : memref<10240x128xf32, #tpu.memory_space<vmem_shared>> -> memref<10240x128xf32, #tpu.memory_space<vmem_shared>>
        tpu.enqueue_indirect_dma source(%arg9 : memref<128x128xf32, #tpu.memory_space<vmem>>) target(%dma_start3A_76 : memref<10240x128xf32, #tpu.memory_space<vmem_shared>>) offsets(%dma_start3A_73 : memref<128xi32, #tpu.memory_space<vmem>>) semaphore(%run_scoped3A : memref<!tpu.dma_semaphore, #tpu.memory_space<semaphore_mem>>) {add = true}
        %dma_wait3A_77 = arith.constant 0 : i32
        %dma_wait3A_78 = tpu.memref_slice %arg8[%add3A_44, %dma_wait3A_77] : memref<40x128xi32, #tpu.memory_space<vmem>> -> memref<1x128xi32, #tpu.memory_space<vmem>>
        %dma_wait3A_79 = tpu.memref_squeeze %dma_wait3A_78 : memref<1x128xi32, #tpu.memory_space<vmem>> -> memref<128xi32, #tpu.memory_space<vmem>>
        %dma_wait3A_80 = arith.constant 0 : i32
        %dma_wait3A_81 = arith.constant 0 : i32
        %dma_wait3A_82 = tpu.memref_slice %arg11[%dma_wait3A_80, %dma_wait3A_81] : memref<10240x128xf32, #tpu.memory_space<vmem_shared>> -> memref<10240x128xf32, #tpu.memory_space<vmem_shared>>
        tpu.wait_indirect_dma semaphore(%run_scoped3A : memref<!tpu.dma_semaphore, #tpu.memory_space<semaphore_mem>>) src(%arg9 : memref<128x128xf32, #tpu.memory_space<vmem>>) dst(%dma_wait3A_82 : memref<10240x128xf32, #tpu.memory_space<vmem_shared>>)
        tpu.yield
      }) : () -> ()
      %mul3A_54 = arith.constant 2 : i32
      %mul3A_55 = arith.muli %mul3A_54, %scan3A_40 : i32
      %add3A_56 = arith.constant 1 : i32
      %add3A_57 = arith.addi %mul3A_55, %add3A_56 : i32
      %add3A_58 = arith.constant 1 : i32
      %add3A_59 = arith.addi %add3A_57, %add3A_58 : i32
      %lt3A_60 = arith.constant 40 : i32
      %lt3A_61 = arith.cmpi slt, %add3A_59, %lt3A_60 : i32
      %convert_element_type3A_62 = arith.extui %lt3A_61 : i1 to i32
      %cond3A_63 = arith.constant 0 : i32
      %cond3A_64 = arith.cmpi ne, %convert_element_type3A_62, %cond3A_63 : i32
      scf.if %cond3A_64 {
        %add3A_71 = arith.constant 1 : i32
        %add3A_72 = arith.addi %add3A_57, %add3A_71 : i32
        %dma_start3A_73 = arith.constant 0 : i32
        %dma_start3A_74 = tpu.memref_slice %arg7[%add3A_72, %dma_start3A_73] : memref<40x128xi32, #tpu.memory_space<vmem>> -> memref<1x128xi32, #tpu.memory_space<vmem>>
        %dma_start3A_75 = tpu.memref_squeeze %dma_start3A_74 : memref<1x128xi32, #tpu.memory_space<vmem>> -> memref<128xi32, #tpu.memory_space<vmem>>
        %dma_start3A_76 = arith.constant 0 : i32
        %dma_start3A_77 = arith.constant 0 : i32
        %dma_start3A_78 = tpu.memref_slice %arg2[%dma_start3A_76, %dma_start3A_77] : memref<10240x128xf32, #tpu.memory_space<hbm>> -> memref<10240x128xf32, #tpu.memory_space<hbm>>
        tpu.enqueue_indirect_dma source(%dma_start3A_78 : memref<10240x128xf32, #tpu.memory_space<hbm>>) target(%arg9 : memref<128x128xf32, #tpu.memory_space<vmem>>) offsets(%dma_start3A_75 : memref<128xi32, #tpu.memory_space<vmem>>) semaphore(%arg12 : memref<!tpu.dma_semaphore, #tpu.memory_space<semaphore_mem>>)
      } else {
      }
      %dma_wait3A_65 = arith.constant 0 : i32
      %dma_wait3A_66 = tpu.memref_slice %arg7[%add3A_57, %dma_wait3A_65] : memref<40x128xi32, #tpu.memory_space<vmem>> -> memref<1x128xi32, #tpu.memory_space<vmem>>
      %dma_wait3A_67 = tpu.memref_squeeze %dma_wait3A_66 : memref<1x128xi32, #tpu.memory_space<vmem>> -> memref<128xi32, #tpu.memory_space<vmem>>
      %dma_wait3A_68 = arith.constant 0 : i32
      %dma_wait3A_69 = arith.constant 0 : i32
      %dma_wait3A_70 = tpu.memref_slice %arg2[%dma_wait3A_68, %dma_wait3A_69] : memref<10240x128xf32, #tpu.memory_space<hbm>> -> memref<10240x128xf32, #tpu.memory_space<hbm>>
      tpu.wait_indirect_dma semaphore(%arg13 : memref<!tpu.dma_semaphore, #tpu.memory_space<semaphore_mem>>) src(%dma_wait3A_70 : memref<10240x128xf32, #tpu.memory_space<hbm>>) dst(%arg10 : memref<128x128xf32, #tpu.memory_space<vmem>>)
      "tpu.region"() ({
        %run_scoped3A = tpu.sem_alloc : memref<!tpu.dma_semaphore, #tpu.memory_space<semaphore_mem>>
        %dma_start3A_71 = arith.constant 0 : i32
        %dma_start3A_72 = tpu.memref_slice %arg8[%add3A_57, %dma_start3A_71] : memref<40x128xi32, #tpu.memory_space<vmem>> -> memref<1x128xi32, #tpu.memory_space<vmem>>
        %dma_start3A_73 = tpu.memref_squeeze %dma_start3A_72 : memref<1x128xi32, #tpu.memory_space<vmem>> -> memref<128xi32, #tpu.memory_space<vmem>>
        %dma_start3A_74 = arith.constant 0 : i32
        %dma_start3A_75 = arith.constant 0 : i32
        %dma_start3A_76 = tpu.memref_slice %arg11[%dma_start3A_74, %dma_start3A_75] : memref<10240x128xf32, #tpu.memory_space<vmem_shared>> -> memref<10240x128xf32, #tpu.memory_space<vmem_shared>>
        tpu.enqueue_indirect_dma source(%arg10 : memref<128x128xf32, #tpu.memory_space<vmem>>) target(%dma_start3A_76 : memref<10240x128xf32, #tpu.memory_space<vmem_shared>>) offsets(%dma_start3A_73 : memref<128xi32, #tpu.memory_space<vmem>>) semaphore(%run_scoped3A : memref<!tpu.dma_semaphore, #tpu.memory_space<semaphore_mem>>) {add = true}
        %dma_wait3A_77 = arith.constant 0 : i32
        %dma_wait3A_78 = tpu.memref_slice %arg8[%add3A_57, %dma_wait3A_77] : memref<40x128xi32, #tpu.memory_space<vmem>> -> memref<1x128xi32, #tpu.memory_space<vmem>>
        %dma_wait3A_79 = tpu.memref_squeeze %dma_wait3A_78 : memref<1x128xi32, #tpu.memory_space<vmem>> -> memref<128xi32, #tpu.memory_space<vmem>>
        %dma_wait3A_80 = arith.constant 0 : i32
        %dma_wait3A_81 = arith.constant 0 : i32
        %dma_wait3A_82 = tpu.memref_slice %arg11[%dma_wait3A_80, %dma_wait3A_81] : memref<10240x128xf32, #tpu.memory_space<vmem_shared>> -> memref<10240x128xf32, #tpu.memory_space<vmem_shared>>
        tpu.wait_indirect_dma semaphore(%run_scoped3A : memref<!tpu.dma_semaphore, #tpu.memory_space<semaphore_mem>>) src(%arg10 : memref<128x128xf32, #tpu.memory_space<vmem>>) dst(%dma_wait3A_82 : memref<10240x128xf32, #tpu.memory_space<vmem_shared>>)
        tpu.yield
      }) : () -> ()
    }
    %scan3A_34 = arith.constant 20 : i32
    %barrier3A_35 = arith.constant 0 : index
    tpu.barrier barrier_id(%barrier3A_35)
    %mul3A_36 = arith.constant 640 : i32
    %mul3A_37 = arith.muli %arg1, %mul3A_36 : i32
    %mul3A_38 = arith.constant 640 : i32
    %mul3A_39 = arith.muli %arg1, %mul3A_38 : i32
    "tpu.region"() ({
      %run_scoped3A = tpu.sem_alloc : memref<!tpu.dma_semaphore, #tpu.memory_space<semaphore_mem>>
      %dma_start3A_40 = arith.constant 0 : i32
      %dma_start3A_41 = tpu.memref_slice %arg6[%arg0, %mul3A_39, %dma_start3A_40] : memref<2x10240x128xf32, #tpu.memory_space<hbm>> -> memref<1x640x128xf32, #tpu.memory_space<hbm>>
      %dma_start3A_42 = tpu.memref_squeeze %dma_start3A_41 : memref<1x640x128xf32, #tpu.memory_space<hbm>> -> memref<640x128xf32, #tpu.memory_space<hbm>>
      %dma_start3A_43 = arith.constant 0 : i32
      %dma_start3A_44 = tpu.memref_slice %arg11[%mul3A_37, %dma_start3A_43] : memref<10240x128xf32, #tpu.memory_space<vmem_shared>> -> memref<640x128xf32, #tpu.memory_space<vmem_shared>>
      tpu.enqueue_dma source(%dma_start3A_44 : memref<640x128xf32, #tpu.memory_space<vmem_shared>>) target(%dma_start3A_42 : memref<640x128xf32, #tpu.memory_space<hbm>>) target_semaphore(%run_scoped3A : memref<!tpu.dma_semaphore, #tpu.memory_space<semaphore_mem>>)
      %dma_wait3A = arith.constant 0 : i32
      %dma_wait3A_45 = tpu.memref_slice %arg6[%arg0, %mul3A_39, %dma_wait3A] : memref<2x10240x128xf32, #tpu.memory_space<hbm>> -> memref<1x640x128xf32, #tpu.memory_space<hbm>>
      %dma_wait3A_46 = tpu.memref_squeeze %dma_wait3A_45 : memref<1x640x128xf32, #tpu.memory_space<hbm>> -> memref<640x128xf32, #tpu.memory_space<hbm>>
      %dma_wait3A_47 = arith.constant 0 : i32
      %dma_wait3A_48 = tpu.memref_slice %arg11[%mul3A_37, %dma_wait3A_47] : memref<10240x128xf32, #tpu.memory_space<vmem_shared>> -> memref<640x128xf32, #tpu.memory_space<vmem_shared>>
      tpu.wait_dma2 semaphore(%run_scoped3A : memref<!tpu.dma_semaphore, #tpu.memory_space<semaphore_mem>>) src(%dma_wait3A_48 : memref<640x128xf32, #tpu.memory_space<vmem_shared>>) dst(%dma_wait3A_46 : memref<640x128xf32, #tpu.memory_space<hbm>>)
      tpu.yield
    }) : () -> ()
    return
  }
}

module attributes {stable_mosaic.version = 14 : i64} {
  func.func @_mm_body(%arg0: i32, %arg1: memref<512x128xf32, #tpu.memory_space<vmem>>, %arg2: memref<128x128xf32, #tpu.memory_space<vmem>>, %arg3: memref<512x128xf32, #tpu.memory_space<vmem>>) attributes {dimension_semantics = [#tpu.dimension_semantics<arbitrary>], iteration_bounds = array<i64: 20>, scalar_prefetch = 0 : i64, scratch_operands = 0 : i64, tpu.core_type = #tpu.core_type<tc>, window_params = [{transform_indices = @transform_0, window_bounds = array<i64: 512, 128>}, {pipeline_mode = #tpu.pipeline_mode<synchronous>, transform_indices = @transform_1, window_bounds = array<i64: 128, 128>}, {transform_indices = @transform_2, window_bounds = array<i64: 512, 128>}]} {
    %get3A = arith.constant 0 : index
    %get3A_0 = arith.constant 0 : index
    %get3A_1 = vector.load %arg1[%get3A, %get3A_0] : memref<512x128xf32, #tpu.memory_space<vmem>>, vector<512x128xf32>
    %get3A_2 = arith.constant 0 : index
    %get3A_3 = arith.constant 0 : index
    %get3A_4 = vector.load %arg2[%get3A_2, %get3A_3] : memref<128x128xf32, #tpu.memory_space<vmem>>, vector<128x128xf32>
    %dot_general3A = arith.constant dense<0.000000e+00> : vector<512x128xf32>
    %dot_general3A_5 = tpu.matmul %get3A_1, %get3A_4, %dot_general3A {dimension_numbers = #tpu.dot_dimension_numbers<[1], [0], [0], [1], [0, 0, 1, 1], [], []>, transpose_lhs_hint = false} : vector<512x128xf32>, vector<128x128xf32>, vector<512x128xf32> -> vector<512x128xf32>
    %swap3A = arith.constant 0 : index
    %swap3A_6 = arith.constant 0 : index
    %swap3A_7 = vector.load %arg3[%swap3A, %swap3A_6] : memref<512x128xf32, #tpu.memory_space<vmem>>, vector<512x128xf32>
    tpu.vector_store %arg3[%swap3A, %swap3A_6], %dot_general3A_5 {strides = array<i32>} : memref<512x128xf32, #tpu.memory_space<vmem>>, vector<512x128xf32>,
    return
  }
  func.func @transform_0(%arg0: i32) -> (i32, i32) {
    %c0_i32 = arith.constant 0 : i32
    %c0_i32_0 = arith.constant 0 : i32
    return %arg0, %c0_i32 : i32, i32
  }
  func.func @transform_1(%arg0: i32) -> (i32, i32) {
    %c0_i32 = arith.constant 0 : i32
    %c0_i32_0 = arith.constant 0 : i32
    %c0_i32_1 = arith.constant 0 : i32
    return %c0_i32, %c0_i32_0 : i32, i32
  }
  func.func @transform_2(%arg0: i32) -> (i32, i32) {
    %c0_i32 = arith.constant 0 : i32
    %c0_i32_0 = arith.constant 0 : i32
    return %arg0, %c0_i32 : i32, i32
  }
}

module attributes {stable_mosaic.version = 14 : i64} {
  func.func @_scale_body(%arg0: i32, %arg1: memref<512x128xf32, #tpu.memory_space<vmem>>, %arg2: memref<1x512x128xf32, #tpu.memory_space<vmem>>, %arg3: memref<1x512x128xf32, #tpu.memory_space<vmem>>, %arg4: memref<512x128xf32, #tpu.memory_space<vmem>>) attributes {dimension_semantics = [#tpu.dimension_semantics<arbitrary>], iteration_bounds = array<i64: 20>, scalar_prefetch = 0 : i64, scratch_operands = 0 : i64, tpu.core_type = #tpu.core_type<tc>, window_params = [{transform_indices = @transform_0, window_bounds = array<i64: 512, 128>}, {transform_indices = @transform_1, window_bounds = array<i64: 1, 512, 128>}, {transform_indices = @transform_2, window_bounds = array<i64: 1, 512, 128>}, {transform_indices = @transform_3, window_bounds = array<i64: 512, 128>}]} {
    %get3A = arith.constant 0 : index
    %get3A_0 = arith.constant 0 : index
    %get3A_1 = vector.load %arg1[%get3A, %get3A_0] : memref<512x128xf32, #tpu.memory_space<vmem>>, vector<512x128xf32>
    %get3A_2 = arith.constant 0 : index
    %get3A_3 = arith.constant 0 : index
    %get3A_4 = arith.constant 0 : index
    %get3A_5 = vector.load %arg2[%get3A_2, %get3A_3, %get3A_4] : memref<1x512x128xf32, #tpu.memory_space<vmem>>, vector<1x512x128xf32>
    %get3A_6 = vector.shape_cast %get3A_5 : vector<1x512x128xf32> to vector<512x128xf32>
    %get3A_7 = arith.constant 0 : index
    %get3A_8 = arith.constant 0 : index
    %get3A_9 = arith.constant 0 : index
    %get3A_10 = vector.load %arg3[%get3A_7, %get3A_8, %get3A_9] : memref<1x512x128xf32, #tpu.memory_space<vmem>>, vector<1x512x128xf32>
    %get3A_11 = vector.shape_cast %get3A_10 : vector<1x512x128xf32> to vector<512x128xf32>
    %add3A = arith.addf %get3A_6, %get3A_11 : vector<512x128xf32>
    %add3A_12 = arith.constant 1.000000e+00 : f32
    %add3A_13 = vector.broadcast %add3A_12 : f32 to vector<512x128xf32>
    %add3A_14 = arith.addf %add3A, %add3A_13 : vector<512x128xf32>
    %rsqrt3A = math.rsqrt %add3A_14 : vector<512x128xf32>
    %mul3A = arith.mulf %get3A_1, %rsqrt3A : vector<512x128xf32>
    %swap3A = arith.constant 0 : index
    %swap3A_15 = arith.constant 0 : index
    %swap3A_16 = vector.load %arg4[%swap3A, %swap3A_15] : memref<512x128xf32, #tpu.memory_space<vmem>>, vector<512x128xf32>
    tpu.vector_store %arg4[%swap3A, %swap3A_15], %mul3A {strides = array<i32>} : memref<512x128xf32, #tpu.memory_space<vmem>>, vector<512x128xf32>,
    return
  }
  func.func @transform_0(%arg0: i32) -> (i32, i32) {
    %c0_i32 = arith.constant 0 : i32
    %c0_i32_0 = arith.constant 0 : i32
    return %arg0, %c0_i32 : i32, i32
  }
  func.func @transform_1(%arg0: i32) -> (i32, i32, i32) {
    %c0_i32 = arith.constant 0 : i32
    %c0_i32_0 = arith.constant 0 : i32
    %c0_i32_1 = arith.constant 0 : i32
    return %c0_i32, %arg0, %c0_i32_0 : i32, i32, i32
  }
  func.func @transform_2(%arg0: i32) -> (i32, i32, i32) {
    %c1_i32 = arith.constant 1 : i32
    %c0_i32 = arith.constant 0 : i32
    %c0_i32_0 = arith.constant 0 : i32
    return %c1_i32, %arg0, %c0_i32 : i32, i32, i32
  }
  func.func @transform_3(%arg0: i32) -> (i32, i32) {
    %c0_i32 = arith.constant 0 : i32
    %c0_i32_0 = arith.constant 0 : i32
    return %arg0, %c0_i32 : i32, i32
  }
}

module attributes {stable_mosaic.version = 14 : i64} {
  func.func @_layer_body(%arg0: i32, %arg1: memref<1x512x128xf32, #tpu.memory_space<vmem>>, %arg2: memref<1x512x128xf32, #tpu.memory_space<vmem>>, %arg3: memref<512x128xf32, #tpu.memory_space<vmem>>, %arg4: memref<1x512x128xf32, #tpu.memory_space<vmem>>, %arg5: memref<1x512x128xf32, #tpu.memory_space<vmem>>, %arg6: memref<1x128xf32, #tpu.memory_space<vmem>>, %arg7: memref<128x128xf32, #tpu.memory_space<vmem>>, %arg8: memref<512x128xf32, #tpu.memory_space<vmem>>) attributes {dimension_semantics = [#tpu.dimension_semantics<arbitrary>], iteration_bounds = array<i64: 20>, scalar_prefetch = 0 : i64, scratch_operands = 0 : i64, tpu.core_type = #tpu.core_type<tc>, window_params = [{transform_indices = @transform_0, window_bounds = array<i64: 1, 512, 128>}, {transform_indices = @transform_1, window_bounds = array<i64: 1, 512, 128>}, {transform_indices = @transform_2, window_bounds = array<i64: 512, 128>}, {transform_indices = @transform_3, window_bounds = array<i64: 1, 512, 128>}, {transform_indices = @transform_4, window_bounds = array<i64: 1, 512, 128>}, {pipeline_mode = #tpu.pipeline_mode<synchronous>, transform_indices = @transform_5, window_bounds = array<i64: 1, 128>}, {pipeline_mode = #tpu.pipeline_mode<synchronous>, transform_indices = @transform_6, window_bounds = array<i64: 128, 128>}, {transform_indices = @transform_7, window_bounds = array<i64: 512, 128>}]} {
    %get3A = arith.constant 0 : index
    %get3A_0 = arith.constant 0 : index
    %get3A_1 = arith.constant 0 : index
    %get3A_2 = vector.load %arg4[%get3A, %get3A_0, %get3A_1] : memref<1x512x128xf32, #tpu.memory_space<vmem>>, vector<1x512x128xf32>
    %get3A_3 = vector.shape_cast %get3A_2 : vector<1x512x128xf32> to vector<512x128xf32>
    %get3A_4 = arith.constant 0 : index
    %get3A_5 = arith.constant 0 : index
    %get3A_6 = arith.constant 0 : index
    %get3A_7 = vector.load %arg5[%get3A_4, %get3A_5, %get3A_6] : memref<1x512x128xf32, #tpu.memory_space<vmem>>, vector<1x512x128xf32>
    %get3A_8 = vector.shape_cast %get3A_7 : vector<1x512x128xf32> to vector<512x128xf32>
    %add3A = arith.addf %get3A_3, %get3A_8 : vector<512x128xf32>
    %add3A_9 = arith.constant 1.000000e+00 : f32
    %add3A_10 = vector.broadcast %add3A_9 : f32 to vector<512x128xf32>
    %add3A_11 = arith.addf %add3A, %add3A_10 : vector<512x128xf32>
    %rsqrt3A = math.rsqrt %add3A_11 : vector<512x128xf32>
    %get3A_12 = arith.constant 0 : index
    %get3A_13 = arith.constant 0 : index
    %get3A_14 = arith.constant 0 : index
    %get3A_15 = vector.load %arg1[%get3A_12, %get3A_13, %get3A_14] : memref<1x512x128xf32, #tpu.memory_space<vmem>>, vector<1x512x128xf32>
    %get3A_16 = vector.shape_cast %get3A_15 : vector<1x512x128xf32> to vector<512x128xf32>
    %get3A_17 = arith.constant 0 : index
    %get3A_18 = arith.constant 0 : index
    %get3A_19 = arith.constant 0 : index
    %get3A_20 = vector.load %arg2[%get3A_17, %get3A_18, %get3A_19] : memref<1x512x128xf32, #tpu.memory_space<vmem>>, vector<1x512x128xf32>
    %get3A_21 = vector.shape_cast %get3A_20 : vector<1x512x128xf32> to vector<512x128xf32>
    %add3A_22 = arith.addf %get3A_16, %get3A_21 : vector<512x128xf32>
    %get3A_23 = arith.constant 0 : index
    %get3A_24 = arith.constant 0 : index
    %get3A_25 = vector.load %arg3[%get3A_23, %get3A_24] : memref<512x128xf32, #tpu.memory_space<vmem>>, vector<512x128xf32>
    %add3A_26 = arith.addf %add3A_22, %get3A_25 : vector<512x128xf32>
    %mul3A = arith.mulf %rsqrt3A, %add3A_26 : vector<512x128xf32>
    %get3A_27 = arith.constant 0 : index
    %get3A_28 = arith.constant 0 : index
    %get3A_29 = vector.load %arg6[%get3A_27, %get3A_28] : memref<1x128xf32, #tpu.memory_space<vmem>>, vector<1x128xf32>
    %add3A_30 = vector.broadcast %get3A_29 : vector<1x128xf32> to vector<512x128xf32>
    %add3A_31 = arith.addf %mul3A, %add3A_30 : vector<512x128xf32>
    %max3A = arith.constant 0.000000e+00 : f32
    %max3A_32 = vector.broadcast %max3A : f32 to vector<512x128xf32>
    %max3A_33 = arith.maximumf %add3A_31, %max3A_32 : vector<512x128xf32>
    %get3A_34 = arith.constant 0 : index
    %get3A_35 = arith.constant 0 : index
    %get3A_36 = vector.load %arg7[%get3A_34, %get3A_35] : memref<128x128xf32, #tpu.memory_space<vmem>>, vector<128x128xf32>
    %dot_general3A = arith.constant dense<0.000000e+00> : vector<512x128xf32>
    %dot_general3A_37 = tpu.matmul %max3A_33, %get3A_36, %dot_general3A {dimension_numbers = #tpu.dot_dimension_numbers<[1], [0], [0], [1], [0, 0, 1, 1], [], []>, transpose_lhs_hint = false} : vector<512x128xf32>, vector<128x128xf32>, vector<512x128xf32> -> vector<512x128xf32>
    %mul3A_38 = arith.mulf %rsqrt3A, %dot_general3A_37 : vector<512x128xf32>
    %swap3A = arith.constant 0 : index
    %swap3A_39 = arith.constant 0 : index
    %swap3A_40 = vector.load %arg8[%swap3A, %swap3A_39] : memref<512x128xf32, #tpu.memory_space<vmem>>, vector<512x128xf32>
    tpu.vector_store %arg8[%swap3A, %swap3A_39], %mul3A_38 {strides = array<i32>} : memref<512x128xf32, #tpu.memory_space<vmem>>, vector<512x128xf32>,
    return
  }
  func.func @transform_0(%arg0: i32) -> (i32, i32, i32) {
    %c0_i32 = arith.constant 0 : i32
    %c0_i32_0 = arith.constant 0 : i32
    %c0_i32_1 = arith.constant 0 : i32
    return %c0_i32, %arg0, %c0_i32_0 : i32, i32, i32
  }
  func.func @transform_1(%arg0: i32) -> (i32, i32, i32) {
    %c1_i32 = arith.constant 1 : i32
    %c0_i32 = arith.constant 0 : i32
    %c0_i32_0 = arith.constant 0 : i32
    return %c1_i32, %arg0, %c0_i32 : i32, i32, i32
  }
  func.func @transform_2(%arg0: i32) -> (i32, i32) {
    %c0_i32 = arith.constant 0 : i32
    %c0_i32_0 = arith.constant 0 : i32
    return %arg0, %c0_i32 : i32, i32
  }
  func.func @transform_3(%arg0: i32) -> (i32, i32, i32) {
    %c0_i32 = arith.constant 0 : i32
    %c0_i32_0 = arith.constant 0 : i32
    %c0_i32_1 = arith.constant 0 : i32
    return %c0_i32, %arg0, %c0_i32_0 : i32, i32, i32
  }
  func.func @transform_4(%arg0: i32) -> (i32, i32, i32) {
    %c1_i32 = arith.constant 1 : i32
    %c0_i32 = arith.constant 0 : i32
    %c0_i32_0 = arith.constant 0 : i32
    return %c1_i32, %arg0, %c0_i32 : i32, i32, i32
  }
  func.func @transform_5(%arg0: i32) -> (i32, i32) {
    %c0_i32 = arith.constant 0 : i32
    %c0_i32_0 = arith.constant 0 : i32
    %c0_i32_1 = arith.constant 0 : i32
    return %c0_i32, %c0_i32_0 : i32, i32
  }
  func.func @transform_6(%arg0: i32) -> (i32, i32) {
    %c0_i32 = arith.constant 0 : i32
    %c0_i32_0 = arith.constant 0 : i32
    %c0_i32_1 = arith.constant 0 : i32
    return %c0_i32, %c0_i32_0 : i32, i32
  }
  func.func @transform_7(%arg0: i32) -> (i32, i32) {
    %c0_i32 = arith.constant 0 : i32
    %c0_i32_0 = arith.constant 0 : i32
    return %arg0, %c0_i32 : i32, i32
  }
}

module attributes {stable_mosaic.version = 14 : i64} {
  func.func @_final_body(%arg0: i32, %arg1: memref<1x512x128xf32, #tpu.memory_space<vmem>>, %arg2: memref<1x512x128xf32, #tpu.memory_space<vmem>>, %arg3: memref<512x128xf32, #tpu.memory_space<vmem>>, %arg4: memref<1x512x128xf32, #tpu.memory_space<vmem>>, %arg5: memref<1x512x128xf32, #tpu.memory_space<vmem>>, %arg6: memref<1x128xf32, #tpu.memory_space<vmem>>, %arg7: memref<512x128xf32, #tpu.memory_space<vmem>>) attributes {dimension_semantics = [#tpu.dimension_semantics<arbitrary>], iteration_bounds = array<i64: 20>, scalar_prefetch = 0 : i64, scratch_operands = 0 : i64, tpu.core_type = #tpu.core_type<tc>, window_params = [{transform_indices = @transform_0, window_bounds = array<i64: 1, 512, 128>}, {transform_indices = @transform_1, window_bounds = array<i64: 1, 512, 128>}, {transform_indices = @transform_2, window_bounds = array<i64: 512, 128>}, {transform_indices = @transform_3, window_bounds = array<i64: 1, 512, 128>}, {transform_indices = @transform_4, window_bounds = array<i64: 1, 512, 128>}, {pipeline_mode = #tpu.pipeline_mode<synchronous>, transform_indices = @transform_5, window_bounds = array<i64: 1, 128>}, {transform_indices = @transform_6, window_bounds = array<i64: 512, 128>}]} {
    %get3A = arith.constant 0 : index
    %get3A_0 = arith.constant 0 : index
    %get3A_1 = arith.constant 0 : index
    %get3A_2 = vector.load %arg4[%get3A, %get3A_0, %get3A_1] : memref<1x512x128xf32, #tpu.memory_space<vmem>>, vector<1x512x128xf32>
    %get3A_3 = vector.shape_cast %get3A_2 : vector<1x512x128xf32> to vector<512x128xf32>
    %get3A_4 = arith.constant 0 : index
    %get3A_5 = arith.constant 0 : index
    %get3A_6 = arith.constant 0 : index
    %get3A_7 = vector.load %arg5[%get3A_4, %get3A_5, %get3A_6] : memref<1x512x128xf32, #tpu.memory_space<vmem>>, vector<1x512x128xf32>
    %get3A_8 = vector.shape_cast %get3A_7 : vector<1x512x128xf32> to vector<512x128xf32>
    %add3A = arith.addf %get3A_3, %get3A_8 : vector<512x128xf32>
    %add3A_9 = arith.constant 1.000000e+00 : f32
    %add3A_10 = vector.broadcast %add3A_9 : f32 to vector<512x128xf32>
    %add3A_11 = arith.addf %add3A, %add3A_10 : vector<512x128xf32>
    %rsqrt3A = math.rsqrt %add3A_11 : vector<512x128xf32>
    %get3A_12 = arith.constant 0 : index
    %get3A_13 = arith.constant 0 : index
    %get3A_14 = arith.constant 0 : index
    %get3A_15 = vector.load %arg1[%get3A_12, %get3A_13, %get3A_14] : memref<1x512x128xf32, #tpu.memory_space<vmem>>, vector<1x512x128xf32>
    %get3A_16 = vector.shape_cast %get3A_15 : vector<1x512x128xf32> to vector<512x128xf32>
    %get3A_17 = arith.constant 0 : index
    %get3A_18 = arith.constant 0 : index
    %get3A_19 = arith.constant 0 : index
    %get3A_20 = vector.load %arg2[%get3A_17, %get3A_18, %get3A_19] : memref<1x512x128xf32, #tpu.memory_space<vmem>>, vector<1x512x128xf32>
    %get3A_21 = vector.shape_cast %get3A_20 : vector<1x512x128xf32> to vector<512x128xf32>
    %add3A_22 = arith.addf %get3A_16, %get3A_21 : vector<512x128xf32>
    %get3A_23 = arith.constant 0 : index
    %get3A_24 = arith.constant 0 : index
    %get3A_25 = vector.load %arg3[%get3A_23, %get3A_24] : memref<512x128xf32, #tpu.memory_space<vmem>>, vector<512x128xf32>
    %add3A_26 = arith.addf %add3A_22, %get3A_25 : vector<512x128xf32>
    %mul3A = arith.mulf %rsqrt3A, %add3A_26 : vector<512x128xf32>
    %get3A_27 = arith.constant 0 : index
    %get3A_28 = arith.constant 0 : index
    %get3A_29 = vector.load %arg6[%get3A_27, %get3A_28] : memref<1x128xf32, #tpu.memory_space<vmem>>, vector<1x128xf32>
    %add3A_30 = vector.broadcast %get3A_29 : vector<1x128xf32> to vector<512x128xf32>
    %add3A_31 = arith.addf %mul3A, %add3A_30 : vector<512x128xf32>
    %swap3A = arith.constant 0 : index
    %swap3A_32 = arith.constant 0 : index
    %swap3A_33 = vector.load %arg7[%swap3A, %swap3A_32] : memref<512x128xf32, #tpu.memory_space<vmem>>, vector<512x128xf32>
    tpu.vector_store %arg7[%swap3A, %swap3A_32], %add3A_31 {strides = array<i32>} : memref<512x128xf32, #tpu.memory_space<vmem>>, vector<512x128xf32>,
    return
  }
  func.func @transform_0(%arg0: i32) -> (i32, i32, i32) {
    %c0_i32 = arith.constant 0 : i32
    %c0_i32_0 = arith.constant 0 : i32
    %c0_i32_1 = arith.constant 0 : i32
    return %c0_i32, %arg0, %c0_i32_0 : i32, i32, i32
  }
  func.func @transform_1(%arg0: i32) -> (i32, i32, i32) {
    %c1_i32 = arith.constant 1 : i32
    %c0_i32 = arith.constant 0 : i32
    %c0_i32_0 = arith.constant 0 : i32
    return %c1_i32, %arg0, %c0_i32 : i32, i32, i32
  }
  func.func @transform_2(%arg0: i32) -> (i32, i32) {
    %c0_i32 = arith.constant 0 : i32
    %c0_i32_0 = arith.constant 0 : i32
    return %arg0, %c0_i32 : i32, i32
  }
  func.func @transform_3(%arg0: i32) -> (i32, i32, i32) {
    %c0_i32 = arith.constant 0 : i32
    %c0_i32_0 = arith.constant 0 : i32
    %c0_i32_1 = arith.constant 0 : i32
    return %c0_i32, %arg0, %c0_i32_0 : i32, i32, i32
  }
  func.func @transform_4(%arg0: i32) -> (i32, i32, i32) {
    %c1_i32 = arith.constant 1 : i32
    %c0_i32 = arith.constant 0 : i32
    %c0_i32_0 = arith.constant 0 : i32
    return %c1_i32, %arg0, %c0_i32 : i32, i32, i32
  }
  func.func @transform_5(%arg0: i32) -> (i32, i32) {
    %c0_i32 = arith.constant 0 : i32
    %c0_i32_0 = arith.constant 0 : i32
    %c0_i32_1 = arith.constant 0 : i32
    return %c0_i32, %c0_i32_0 : i32, i32
  }
  func.func @transform_6(%arg0: i32) -> (i32, i32) {
    %c0_i32 = arith.constant 0 : i32
    %c0_i32_0 = arith.constant 0 : i32
    return %arg0, %c0_i32 : i32, i32
  }
}

</mosaic_0001>

<sc_bundles>
// kernel: kernel.12.cloned.1.call-start
scs
__scs_entry_jumppad:
0x0: {  	(pc) =	sbr.rel $0x88, $3  }
0x1: {  	(tag) =	ssettag $0x0;
	lr =	simm.s32 $0x1  }
0x2: {  	[smem:$0x3F9B] =	sst lr;
	_ =	strace $0xD0000000  }
0x3: {  	_ = 	snop  }
0x4: {  	_ = 	snop  }
0x5: {  	_ = 	snop  }
0x6: {  	_ = 	snop  }
0x7: {  	_ = 	snop  }
__scs_overlays_trampoline_lowered:
0x8: {  	[smem:$0x3FAA] =	sst s0  }
0x9: {  	[smem:$0x3FAB] =	sst s1  }
0xa: {  	[smem:$0x3FAC] =	sst s2  }
0xb: {  	[smem:$0x3FAD] =	sst s3  }
0xc: {  	[smem:$0x3FAE] =	sst s4  }
0xd: {  	[smem:$0x3FAF] =	sst s5  }
0xe: {  	[smem:$0x3FB0] =	sst s6  }
0xf: {  	[smem:$0x3FB1] =	sst s7  }
0x10: {  	[smem:$0x3FB2] =	sst s8  }
0x11: {  	[smem:$0x3FB3] =	sst s9;
	s0 =	simm.s32 @!p0 $0x0  }
0x12: {  	s1 =	sld [smem:$0x3F99];
	s0 =	simm.s32 @p0 $0x1  }
0x13: {  	[smem:$0x3FB4] =	sst s0;
	s0 =	simm.s32 @!p1 $0x0  }
0x14: {  	s2 =	sld [smem:$0x3F98];
	s0 =	simm.s32 @p1 $0x1  }
0x15: {  	[smem:$0x3FB5] =	sst s0;
	s0 =	simm.s32 @!p2 $0x0  }
0x16: {  	s3 =	sld [smem:$0x3FDB];
	s0 =	simm.s32 @p2 $0x1  }
0x17: {  	s4 =	simm.s32 $0x1BF5;
	[smem:$0x3FB7] =	sst s0  }
0x18: {  	s0 =	sld [smem:$0x3F9A];
	_ =	swait.ge [sflag:s4], $0x0  }
0x19: {  	s7 =	sld [smem:$0x3F9B]  }
0x1a: {  	s8 =	sadd.s32 $0xFFFFE003, lr  }
0x1b: {  	s9 =	sadd.s32 $0xFFFFFEF7, lr;
	s5 =	simm.s32 $0xFFFFFFFF;
	p2 =	slt.u32 s8, $0xFFFFF086  }
0x1c: {  	p1 =	slt.u32 s9, $0xF7A;
	s5 =	simm.s32 @!p2 $0x0  }
0x1d: {  	s5 =	simm.s32 @p1 $0x1;
	p0 =	seq.s32 s7, s2  }
0x1e: {  	s7 =	smul.u32 @!p0 $0xF7A, s2;
	p2 =	seq.s32 @!p0 s5, $0x0  }
0x1f: {  	s9 =	smul.u32 $0xF7A, s1;
	s8 =	simm.s32 @!p0 $0x1BF5;
	p2 =	por !p2, p0  }
0x20: {  	[sflag:s8] =	ssyncset.s32 @!p0 $0xFFFFF086;
	s6 =	sadd.s32 @!p0 s3, s7;
	s7 =	simm.s32 @!p0 $0x108  }
0x21: {  	s3 =	sadd.s32 s3, s9;
	s6 =	sadd.s32 @!p0 $0x88, s6;
	s7 =	simm.s32 @p2 $0x1082  }
0x22: {  	[simem:s7], [sflag:s8] =	dma.local @!p0 [hbm:s6], $0xF7A  }
0x23: {  	s9 =	sor.u32 $0xD0000000, s2;
	s6 =	simm.s32 $0x108;
	_ =	swait.ge @!p0 [sflag:s8], $0x0  }
0x24: {  	s3 =	sadd.s32 $0x88, s3;
	s6 =	simm.s32 @!p1 $0x1082;
	[sflag:s4] =	ssyncset.s32 $0xFFFFF086  }
0x25: {  	[simem:s6], [sflag:s4] =	dma.local [hbm:s3], $0xF7A  }
0x26: {  	[smem:$0x3F9B] =	sst s1;
	(tag) =	ssettag s2;
	_ =	strace s9  }
0x27: {  	s1 =	sld [smem:$0x3FAB]  }
0x28: {  	s2 =	sld [smem:$0x3FAC]  }
0x29: {  	s4 =	sld [smem:$0x3FAE]  }
0x2a: {  	p0 =	seq.s32 s5, $0x0;
	s5 =	sld [smem:$0x3FAF]  }
0x2b: {  	s6 =	sld [smem:$0x3FB0]  }
0x2c: {  	s7 =	sld [smem:$0x3FB1]  }
0x2d: {  	s3 =	simm.s32 $0x108;
	s8 =	sld [smem:$0x3FB2]  }
0x2e: {  	s3 =	simm.s32 @!p0 $0x1082;
	s9 =	sld [smem:$0x3FB3]  }
0x2f: {  	lr =	sadd.s32 s0, s3;
	s0 =	sld [smem:$0x3FAA]  }
0x30: {  	s3 =	sld [smem:$0x3FAD]  }
0x31: {  	[smem:$0x3FB6] =	sst s10  }
0x32: {  	s10 =	sld [smem:$0x3FB4];
	_ =	sdelay $0x3  }
0x33: {  	p0 =	seq.s32 s10, $0x1;
	s10 =	sld [smem:$0x3FB6];
	_ =	sdelay $0x3  }
0x34: {  	[smem:$0x3FB6] =	sst s10  }
0x35: {  	s10 =	sld [smem:$0x3FB5];
	_ =	sdelay $0x3  }
0x36: {  	p1 =	seq.s32 s10, $0x1;
	s10 =	sld [smem:$0x3FB6];
	_ =	sdelay $0x3  }
0x37: {  	[smem:$0x3FB6] =	sst s10  }
0x38: {  	s10 =	sld [smem:$0x3FB7]  }
0x39: {  	_ = 	snop;
	(pc) =	sbr.ind lr, $3  }
0x3a: {  	_ = 	snop  }
0x3b: {  	_ = 	snop  }
0x3c: {  	p2 =	seq.s32 s10, $0x1;
	s10 =	sld [smem:$0x3FB6]  }
0x3d: {  	_ =	shalt  }
0x3e: {  	_ =	shalt  }
0x3f: {  	_ =	shalt  }
0x40: {  	_ =	shalt  }
0x41: {  	_ =	shalt  }
0x42: {  	_ =	shalt  }
0x43: {  	_ =	shalt  }
0x44: {  	_ =	shalt  }
0x45: {  	_ =	shalt  }
0x46: {  	_ =	shalt  }
0x47: {  	_ =	shalt  }
0x48: {  	_ =	shalt  }
0x49: {  	_ =	shalt  }
0x4a: {  	_ =	shalt  }
0x4b: {  	_ =	shalt  }
0x4c: {  	_ =	shalt  }
0x4d: {  	_ =	shalt  }
0x4e: {  	_ =	shalt  }
0x4f: {  	_ =	shalt  }
0x50: {  	_ =	shalt  }
0x51: {  	_ =	shalt  }
0x52: {  	_ =	shalt  }
0x53: {  	_ =	shalt  }
0x54: {  	_ =	shalt  }
0x55: {  	_ =	shalt  }
0x56: {  	_ =	shalt  }
0x57: {  	_ =	shalt  }
0x58: {  	_ =	shalt  }
0x59: {  	_ =	shalt  }
0x5a: {  	_ =	shalt  }
0x5b: {  	_ =	shalt  }
0x5c: {  	_ =	shalt  }
0x5d: {  	_ =	shalt  }
0x5e: {  	_ =	shalt  }
0x5f: {  	_ =	shalt  }
0x60: {  	_ =	shalt  }
0x61: {  	_ =	shalt  }
0x62: {  	_ =	shalt  }
0x63: {  	_ =	shalt  }
0x64: {  	_ =	shalt  }
0x65: {  	_ =	shalt  }
0x66: {  	_ =	shalt  }
0x67: {  	_ =	shalt  }
0x68: {  	_ =	shalt  }
0x69: {  	_ =	shalt  }
0x6a: {  	_ =	shalt  }
0x6b: {  	_ =	shalt  }
0x6c: {  	_ =	shalt  }
0x6d: {  	_ =	shalt  }
0x6e: {  	_ =	shalt  }
0x6f: {  	_ =	shalt  }
0x70: {  	_ =	shalt  }
0x71: {  	_ =	shalt  }
0x72: {  	_ =	shalt  }
0x73: {  	_ =	shalt  }
0x74: {  	_ =	shalt  }
0x75: {  	_ =	shalt  }
0x76: {  	_ =	shalt  }
0x77: {  	_ =	shalt  }
0x78: {  	_ =	shalt  }
0x79: {  	_ =	shalt  }
0x7a: {  	_ =	shalt  }
0x7b: {  	_ =	shalt  }
0x7c: {  	_ =	shalt  }
0x7d: {  	_ =	shalt  }
0x7e: {  	_ =	shalt  }
0x7f: {  	_ =	shalt  }
0x80: {  	_ =	shalt  }
0x81: {  	_ =	shalt  }
0x82: {  	_ =	shalt  }
0x83: {  	_ =	shalt  }
0x84: {  	_ =	shalt  }
0x85: {  	_ =	shalt  }
0x86: {  	_ =	shalt  }
0x87: {  	_ =	shalt  }
.Lfunc_end0:
.L_simem_size_0:
called_computation.1_lowered:
.L_overlay_start_0:
0x88: {  	s2 =	sld [smem:$0x3FD9]  }
0x89: {  	s3 =	sld [smem:$0x3FFE];
	_ =	sdelay $0x1  }
0x8a: {  	s1 =	srdreg.scid  }
0x8b: {  	s0 =	sand.u32 $0x1, s1  }
0x8c: {  	s17 =	sshll.u32 s0, $0xA;
	s2 =	sadd.s32 s3, s2  }
0x8d: {  	s2 =	sadd.s32 s2, s17  }
0x8e: {  	[smem:$0x3FC2] =	sst s2  }
0x8f: {  	_ = 	snop  }
0x90: {  	s2 =	sld [smem:$0x3FD0];
	(tm) =	ssettm $0x1  }
0x91: {  	s18 =	sld [smem:$0x3FFB];
	_ =	sdelay $0x3  }
0x92: {  	_ =	strace s18  }
0x93: {  	s3 =	sld [smem:$0x3FFC];
	_ =	sdelay $0x3  }
0x94: {  	_ =	strace s3  }
0x95: {  	s3 =	sld [smem:$0x3FFD];
	_ =	sdelay $0x3  }
0x96: {  	_ =	strace s3  }
0x97: {  	_ =	strace $0x8FFFFFFF  }
0x98: {  	s19 =	sld [smem:$0x3FDB];
	_ =	sdelay $0x1  }
0x99: {  	s4 =	simm.s32 $_scs_section_size  }
0x9a: {  	s5 =	simm.s32 $_size__tile_overlayer_lowered;
	s6 =	simm.s32 $_tile_overlayer_lowered  }
0x9b: {  	s22 =	simm.s32 $0x1BFF;
	s21 =	sshll.u32 s6, $0x1;
	s3 =	sadd.s32 s4, s19  }
0x9c: {  	s7 =	simm.s32 $0x0;
	s20 =	sshll.u32 s5, $0x1;
	s5 =	sadd.s32 s21, s3  }
0x9d: {  	[timem:s7], [sflag:s22] =	dma.local [hbm:s5], s20  }
0x9e: {  	_ =	swait.ge [sflag:s22], s20  }
0x9f: {  	s4 =	ssub.s32 $0x0, s20;
	[sflag:s22] =	ssyncset.done $0x0  }
0xa0: {  	[sflag:s22] =	ssyncadd.s32 s4;
	_ =	sdelay $0x1  }
0xa1: {  	s23 =	simm.s32 $0x1B8B  }
0xa2: {  	_ =	swait.ge [sflag:s23], $0x1  }
0xa3: {  	[sflag:s23] =	ssyncset.done $0x0  }
0xa4: {  	s25 =	simm.s32 $0x1B8E;
	s24 =	sld [smem:$0x3FFE];
	[sflag:s23] =	ssyncadd.s32 $0xFFFFFFFF  }
0xa5: {  	s26 =	simm.s32 $execute0_lowered;
	[smem:$0x3FD2] =	sst s25  }
0xa6: {  	s5 =	sshll.u32 s26, $0x1;
	_ =	strace $0x80000049;
	[dreg:$0x1] =	wrdreg $0xFFFFFFFF  }
0xa7: {  	s28 =	simm.s32 $_size_execute0_lowered;
	s3 =	sadd.s32 s3, s5;
	[dreg:$0x0] =	wrdreg $0x0  }
0xa8: {  	s5 =	sshll.u32 s28, $0x1;
	[dreg:$0x2] =	wrdreg s3  }
0xa9: {  	[dreg:$0x3] =	wrdreg s5  }
0xaa: {  	[dreg:$0x4] =	wrdreg $0xC0  }
0xab: {  	_ =	task [dreg:s7], $0x5FFFF  }
0xac: {  	[dreg:$0x1] =	wrdreg $0xFFFFFFFF  }
0xad: {  	[dreg:$0x0] =	wrdreg $0x60  }
0xae: {  	[dreg:$0x2] =	wrdreg s24  }
0xaf: {  	[dreg:$0x3] =	wrdreg s2  }
0xb0: {  	[dreg:$0x4] =	wrdreg $0xA8000  }
0xb1: {  	[dreg:$0x5] =	wrdreg $0x9  }
0xb2: {  	_ =	task.clear_ibuf [dreg:s7], $0x6FFFF;
	_ =	strace $0x90000049  }
0xb3: {  	s29 =	simm.s32 $0x9;
	_ =	strace $0x8000004B  }
0xb4: {  	_ =	swait.ge [sflag:s29], $0x1  }
0xb5: {  	[sflag:s29] =	ssyncadd.s32 $0xFFFFFFFF  }
0xb6: {  	_ =	strace $0x9000004B  }
0xb7: {  	_ =	sfence  }
0xb8: {  	s30 =	sld [smem:$0x0];
	_ =	sdelay $0x2  }
0xb9: {  	s31 =	sshll.u32 s1, $0xD;
	s1 =	sshrl.u32 s1, $0x2  }
0xba: {  	s3 =	sand.u32 $0x4000, s31;
	s1 =	sadd.s32 s1, s30  }
0xbb: {  	s0 =	sor.u32 s3, s0;
	s1 =	sshll.u32 s1, $0x11  }
0xbc: {  	s0 =	sor.u32 s1, s0  }
0xbd: {  	s0 =	sadd.s32 $0x8F2B, s0  }
0xbe: {  	[sflag:s0] =	ssyncadd.remote.s32 $0x1  }
0xbf: {  	_ =	sfence.sel $0xFFFF  }
0xc0: {  	[dreg:$0x0] =	wrdreg $0xFFFFFFFF;
	(pc) =	sbr.abs _section_cstart, $3  }
0xc1: {  	[dreg:$0x1] =	wrdreg $0xFFFFFFFF  }
0xc2: {  	_ =	task.clear_ibuf [dreg:s7], $0x2FFFF;
	_ =	strace $0x9FFFFFFF  }
0xc3: {  	(tm) =	ssettm $0x7FFFFFFF  }
tec
execute0_lowered:
.L_overlay_start_1:
0x0: {  	(tag) =	ssettag $0x1  }
0x1: {  	s6 =	rddreg [dreg:$0x0]  }
0x2: {  	s9 =	rddreg [dreg:$0x1]  }
0x3: {  	s1 =	rddreg [dreg:$0x2]  }
0x4: {  	s2 =	srdreg.scid;
	s0 =	rddreg [dreg:$0x3]  }
0x5: {  	s3 =	simm.s32 $0x0;
	s16 =	simm.s32 $0x80;
	s17 =	simm.s32 $0x2800  }
0x6: {  	s18 =	simm.s32 $0x6800;
	s19 =	simm.s32 $0x1;
	s20 =	simm.s32 $0x2  }
0x7: {  	s21 =	simm.s32 $0x1380;
	s22 =	simm.s32 $0x2700;
	s23 =	simm.s32 $0x2780  }
0x8: {  	s24 =	simm.s32 $0x0;
	s7 =	sand.u32 $0x1, s2;
	s2 =	stileid.u32  }
0x9: {  	[smem:$0x7FF] =	sst s3;
	s4 =	sadd.s32 $0x5FA00, s6;
	s8 =	smul.u32 $0x140000, s7  }
0xa: {  	s11 =	sadd.s32 $0x2A00, s6;
	s5 =	sadd.s32 $0xD200, s6;
	s10 =	smul.u32 $0x14000, s2  }
0xb: {  	_ =	strace $0x8000004A;
	s25 =	sshll.u32 s7, $0x4;
	s7 =	ssub.s32 $0x2, s7  }
0xc: {  	s12 =	smul.u32 $0x50000, s2;
	s28 =	sshll.u32 s2, $0x6;
	s13 =	sshrl.u32 s7, $0x1  }
0xd: {  	s8 =	sadd.s32 s10, s8;
	s10 =	sor.u32 s2, s25;
	s13 =	ssub.s32 s7, s13  }
0xe: {  	s26 =	sshrl.u32 s12, $0x2;
	s8 =	sshrl.u32 s8, $0x3;
	s14 =	smul.u32 $0x2800, s10  }
0xf: {  	s29 =	smul.u32 $0x500, s10;
	s31 =	sadd.s32 s26, s1;
	s12 =	smax.u32 s13, $0x1  }
0x10: {  	s15 =	sadd.s32 s8, s6;
	s6 =	sor.u32 $0x1C03, s28;
	s30 =	sshrl.u32 s14, $0x3  }
0x11: {  	s13 =	sshrl.u32 s31, $0x3;
	s7 =	sadd.s32 s9, s29;
	s10 =	sadd.s32 $0x280, s30  }
0x12: {  	s8 =	sadd.s32 s11, s29;
	s14 =	simm.s32 $0x3;
	s9 =	sadd.s32 s9, s10  }
0x13: {  	s10 =	sadd.s32 s11, s10;
	s11 =	sadd.s32 $0x87A00, s15;
	s15 =	simm.s32 $0x1400  }
.LBB2_1:
0x14: {  	[spmem:s13], [sflag:s6] =	dma.local [hbm:s5], $0x2800  }
0x15: {  	_ =	swait.ge [sflag:s14], $0x2800  }
0x16: {  	[sflag:s14] =	ssyncset.done $0x0  }
0x17: {  	[sflag:s14] =	ssyncadd.s32 $0xFFFFD800  }
0x18: {  	[bflag:$0x0] =	sbarrier.arrive $0xFFFF  }
0x19: {  	[tilespmem:s3], [sflag:$0x3] =	stream.linear.gather [hbm4b:s7+s3], $0x1400, $0x38;
	[tilespmem:$0x1E800] =	vst v63  }
0x1a: {  	_ =	swait.ge [sflag:s14], $0x1400  }
0x1b: {  	[sflag:s14] =	ssyncset.done $0x0  }
0x1c: {  	[sflag:s14] =	ssyncadd.s32 $0xFFFFEC00  }
0x1d: {  	[tilespmem:s15], [sflag:$0x3] =	stream.linear.gather [hbm4b:s8+s3], $0x1400, $0x38;
	[tilespmem:$0x1E800] =	vst v63  }
0x1e: {  	_ =	swait.ge [sflag:s14], $0x1400  }
0x1f: {  	[sflag:s14] =	ssyncset.done $0x0  }
0x20: {  	[sflag:s14] =	ssyncadd.s32 $0xFFFFEC00  }
0x21: {  	[tilespmem:s17], [sflag:$0x1] =	stream.indirect.gather [hbm4b:s4+s16], $0x80, s3, s16, $0xb8;
	[tilespmem:$0x1E800] =	vst v63  }
0x22: {  	s25 =	simm.s32 $0x80  }
0x23: {  	[tilespmem:s18], [sflag:$0x2] =	stream.indirect.gather [hbm4b:s4+s16], $0x80, s25, s16, $0xb8;
	[tilespmem:$0x1E800] =	vst v63  }
0x24: {  	_ =	swait.ge [sflag:s19], $0x4000  }
0x25: {  	[sflag:s19] =	ssyncset.done $0x0  }
0x26: {  	s29 =	simm.s32 $0x1400;
	[sflag:s19] =	ssyncadd.s32 $0xFFFFC000  }
0x27: {  	[spmem:s1] =	stream.indirect.scatter.add.f32 [tilespmem:s17], [sflag:$0x3], $0x80, s29, s16, $0xb8;
	[tilespmem:$0x1E800] =	vst v63  }
0x28: {  	_ =	swait.ge [sflag:s14], $0x4000  }
0x29: {  	[sflag:s14] =	ssyncset.done $0x0  }
0x2a: {  	s30 =	simm.s32 $0x100;
	[sflag:s14] =	ssyncadd.s32 $0xFFFFC000  }
0x2b: {  	[tilespmem:s17], [sflag:$0x1] =	stream.indirect.gather [hbm4b:s4+s16], $0x80, s30, s16, $0xb8;
	[tilespmem:$0x1E800] =	vst v63  }
0x2c: {  	_ =	swait.ge [sflag:s20], $0x4000  }
0x2d: {  	[sflag:s20] =	ssyncset.done $0x0  }
0x2e: {  	s31 =	simm.s32 $0x1480;
	[sflag:s20] =	ssyncadd.s32 $0xFFFFC000  }
0x2f: {  	[spmem:s1] =	stream.indirect.scatter.add.f32 [tilespmem:s18], [sflag:$0x3], $0x80, s31, s16, $0xb8;
	[tilespmem:$0x1E800] =	vst v63  }
0x30: {  	_ =	swait.ge [sflag:s14], $0x4000  }
0x31: {  	s26 =	simm.s32 $0x800;
	s25 =	simm.s32 $0x100;
	[sflag:s14] =	ssyncset.done $0x0  }
.LBB2_2:
0x32: {  	s28 =	sadd.s32 $0x80, s25  }
0x33: {  	[sflag:s14] =	ssyncadd.s32 $0xFFFFC000;
	s29 =	smov.u32 s26;
	s30 =	sadd.s32 $0x400, s26  }
0x34: {  	[tilespmem:s18], [sflag:$0x2] =	stream.indirect.gather [hbm4b:s4+s16], $0x80, s28, s16, $0xb8;
	[tilespmem:$0x1E800] =	vst v63  }
0x35: {  	p0 =	sne.s32 s26, $0x4800;
	_ =	swait.ge [sflag:s19], $0x4000  }
0x36: {  	[sflag:s19] =	ssyncset.done $0x0  }
0x37: {  	s26 =	sadd.s32 $0x1400, s25;
	[sflag:s19] =	ssyncadd.s32 $0xFFFFC000  }
0x38: {  	[spmem:s1] =	stream.indirect.scatter.add.f32 [tilespmem:s17], [sflag:$0x3], $0x80, s26, s16, $0xb8;
	[tilespmem:$0x1E800] =	vst v63  }
0x39: {  	_ =	swait.ge [sflag:s14], $0x4000  }
0x3a: {  	[sflag:s14] =	ssyncset.done $0x0  }
0x3b: {  	s26 =	sadd.s32 $0x100, s25;
	[sflag:s14] =	ssyncadd.s32 $0xFFFFC000  }
0x3c: {  	[tilespmem:s17], [sflag:$0x1] =	stream.indirect.gather [hbm4b:s4+s16], $0x80, s26, s16, $0xb8;
	[tilespmem:$0x1E800] =	vst v63  }
0x3d: {  	_ =	swait.ge [sflag:s20], $0x4000  }
.Ltmp0:
0x3e: {  	[sflag:s20] =	ssyncset.done $0x0;
	(pc) =	sbr.rel @p0 .LBB2_2-.Ltmp0, $4  }
0x3f: {  	s25 =	sadd.s32 $0x1480, s25;
	[sflag:s20] =	ssyncadd.s32 $0xFFFFC000  }
0x40: {  	[spmem:s1] =	stream.indirect.scatter.add.f32 [tilespmem:s18], [sflag:$0x3], $0x80, s25, s16, $0xb8;
	[tilespmem:$0x1E800] =	vst v63  }
0x41: {  	_ =	swait.ge [sflag:s14], $0x4000  }
0x42: {  	s26 =	smov.u32 s30;
	s25 =	sshra.s32 s29, $0x2;
	[sflag:s14] =	ssyncset.done $0x0  }
0x43: {  	s26 =	sadd.s32 $0x80, s25;
	[sflag:s14] =	ssyncadd.s32 $0xFFFFC000  }
0x44: {  	[tilespmem:s18], [sflag:$0x2] =	stream.indirect.gather [hbm4b:s4+s16], $0x80, s26, s16, $0xb8;
	[tilespmem:$0x1E800] =	vst v63  }
0x45: {  	_ =	swait.ge [sflag:s19], $0x4000  }
0x46: {  	[sflag:s19] =	ssyncset.done $0x0  }
0x47: {  	s29 =	sadd.s32 $0x1400, s25;
	[sflag:s19] =	ssyncadd.s32 $0xFFFFC000  }
0x48: {  	[spmem:s1] =	stream.indirect.scatter.add.f32 [tilespmem:s17], [sflag:$0x3], $0x80, s29, s16, $0xb8;
	[tilespmem:$0x1E800] =	vst v63  }
0x49: {  	_ =	swait.ge [sflag:s14], $0x4000  }
0x4a: {  	[sflag:s14] =	ssyncset.done $0x0  }
0x4b: {  	s30 =	sadd.s32 $0x100, s25;
	[sflag:s14] =	ssyncadd.s32 $0xFFFFC000  }
0x4c: {  	[tilespmem:s17], [sflag:$0x1] =	stream.indirect.gather [hbm4b:s4+s16], $0x80, s30, s16, $0xb8;
	[tilespmem:$0x1E800] =	vst v63  }
0x4d: {  	_ =	swait.ge [sflag:s20], $0x4000  }
0x4e: {  	[sflag:s20] =	ssyncset.done $0x0  }
0x4f: {  	s31 =	sadd.s32 $0x1480, s25;
	[sflag:s20] =	ssyncadd.s32 $0xFFFFC000  }
0x50: {  	[spmem:s1] =	stream.indirect.scatter.add.f32 [tilespmem:s18], [sflag:$0x3], $0x80, s31, s16, $0xb8;
	[tilespmem:$0x1E800] =	vst v63  }
0x51: {  	_ =	swait.ge [sflag:s14], $0x4000  }
0x52: {  	[sflag:s14] =	ssyncset.done $0x0  }
0x53: {  	[sflag:s14] =	ssyncadd.s32 $0xFFFFC000  }
0x54: {  	[tilespmem:s18], [sflag:$0x2] =	stream.indirect.gather [hbm4b:s4+s16], $0x80, s21, s16, $0xb8;
	[tilespmem:$0x1E800] =	vst v63  }
0x55: {  	_ =	swait.ge [sflag:s19], $0x4000  }
0x56: {  	[sflag:s19] =	ssyncset.done $0x0  }
0x57: {  	[sflag:s19] =	ssyncadd.s32 $0xFFFFC000  }
0x58: {  	[spmem:s1] =	stream.indirect.scatter.add.f32 [tilespmem:s17], [sflag:$0x3], $0x80, s22, s16, $0xb8;
	[tilespmem:$0x1E800] =	vst v63  }
0x59: {  	_ =	swait.ge [sflag:s14], $0x4000  }
0x5a: {  	[sflag:s14] =	ssyncset.done $0x0  }
0x5b: {  	[sflag:s14] =	ssyncadd.s32 $0xFFFFC000  }
0x5c: {  	_ =	swait.ge [sflag:s20], $0x4000  }
0x5d: {  	[sflag:s20] =	ssyncset.done $0x0  }
0x5e: {  	[sflag:s20] =	ssyncadd.s32 $0xFFFFC000  }
0x5f: {  	[spmem:s1] =	stream.indirect.scatter.add.f32 [tilespmem:s18], [sflag:$0x3], $0x80, s23, s16, $0xb8;
	[tilespmem:$0x1E800] =	vst v63  }
0x60: {  	_ =	swait.ge [sflag:s14], $0x4000  }
0x61: {  	[sflag:s14] =	ssyncset.done $0x0  }
0x62: {  	s26 =	simm.s32 $0x0;
	[sflag:s14] =	ssyncadd.s32 $0xFFFFC000  }
0x63: {  	[tilespmem:s26], [sflag:$0x3] =	stream.linear.gather [hbm4b:s9+s26], $0x1400, $0x38;
	[tilespmem:$0x1E800] =	vst v63  }
0x64: {  	_ =	swait.ge [sflag:s14], $0x1400  }
0x65: {  	[sflag:s14] =	ssyncset.done $0x0  }
0x66: {  	[sflag:s14] =	ssyncadd.s32 $0xFFFFEC00  }
0x67: {  	[tilespmem:s15], [sflag:$0x3] =	stream.linear.gather [hbm4b:s10+s26], $0x1400, $0x38;
	[tilespmem:$0x1E800] =	vst v63  }
0x68: {  	_ =	swait.ge [sflag:s14], $0x1400  }
0x69: {  	[sflag:s14] =	ssyncset.done $0x0  }
0x6a: {  	[sflag:s14] =	ssyncadd.s32 $0xFFFFEC00  }
0x6b: {  	[tilespmem:s17], [sflag:$0x1] =	stream.indirect.gather [hbm4b:s4+s16], $0x80, s26, s16, $0xb8;
	[tilespmem:$0x1E800] =	vst v63  }
0x6c: {  	s28 =	simm.s32 $0x80  }
0x6d: {  	[tilespmem:s18], [sflag:$0x2] =	stream.indirect.gather [hbm4b:s4+s16], $0x80, s28, s16, $0xb8;
	[tilespmem:$0x1E800] =	vst v63  }
0x6e: {  	_ =	swait.ge [sflag:s19], $0x4000  }
0x6f: {  	[sflag:s19] =	ssyncset.done $0x0  }
0x70: {  	s29 =	simm.s32 $0x1400;
	[sflag:s19] =	ssyncadd.s32 $0xFFFFC000  }
0x71: {  	[spmem:s1] =	stream.indirect.scatter.add.f32 [tilespmem:s17], [sflag:$0x3], $0x80, s29, s16, $0xb8;
	[tilespmem:$0x1E800] =	vst v63  }
0x72: {  	_ =	swait.ge [sflag:s14], $0x4000  }
0x73: {  	[sflag:s14] =	ssyncset.done $0x0  }
0x74: {  	s30 =	simm.s32 $0x100;
	[sflag:s14] =	ssyncadd.s32 $0xFFFFC000  }
0x75: {  	[tilespmem:s17], [sflag:$0x1] =	stream.indirect.gather [hbm4b:s4+s16], $0x80, s30, s16, $0xb8;
	[tilespmem:$0x1E800] =	vst v63  }
0x76: {  	_ =	swait.ge [sflag:s20], $0x4000  }
0x77: {  	[sflag:s20] =	ssyncset.done $0x0  }
0x78: {  	s31 =	simm.s32 $0x1480;
	[sflag:s20] =	ssyncadd.s32 $0xFFFFC000  }
0x79: {  	[spmem:s1] =	stream.indirect.scatter.add.f32 [tilespmem:s18], [sflag:$0x3], $0x80, s31, s16, $0xb8;
	[tilespmem:$0x1E800] =	vst v63  }
0x7a: {  	_ =	swait.ge [sflag:s14], $0x4000  }
0x7b: {  	s25 =	simm.s32 $0x100;
	s26 =	simm.s32 $0x800;
	[sflag:s14] =	ssyncset.done $0x0  }
.LBB2_4:
0x7c: {  	s28 =	sadd.s32 $0x80, s25  }
0x7d: {  	[sflag:s14] =	ssyncadd.s32 $0xFFFFC000;
	s29 =	smov.u32 s26;
	s30 =	sadd.s32 $0x400, s26  }
0x7e: {  	[tilespmem:s18], [sflag:$0x2] =	stream.indirect.gather [hbm4b:s4+s16], $0x80, s28, s16, $0xb8;
	[tilespmem:$0x1E800] =	vst v63  }
0x7f: {  	p0 =	sne.s32 s26, $0x4800;
	_ =	swait.ge [sflag:s19], $0x4000  }
0x80: {  	[sflag:s19] =	ssyncset.done $0x0  }
0x81: {  	s26 =	sadd.s32 $0x1400, s25;
	[sflag:s19] =	ssyncadd.s32 $0xFFFFC000  }
0x82: {  	[spmem:s1] =	stream.indirect.scatter.add.f32 [tilespmem:s17], [sflag:$0x3], $0x80, s26, s16, $0xb8;
	[tilespmem:$0x1E800] =	vst v63  }
0x83: {  	_ =	swait.ge [sflag:s14], $0x4000  }
0x84: {  	[sflag:s14] =	ssyncset.done $0x0  }
0x85: {  	s26 =	sadd.s32 $0x100, s25;
	[sflag:s14] =	ssyncadd.s32 $0xFFFFC000  }
0x86: {  	[tilespmem:s17], [sflag:$0x1] =	stream.indirect.gather [hbm4b:s4+s16], $0x80, s26, s16, $0xb8;
	[tilespmem:$0x1E800] =	vst v63  }
0x87: {  	_ =	swait.ge [sflag:s20], $0x4000  }
.Ltmp1:
0x88: {  	[sflag:s20] =	ssyncset.done $0x0;
	(pc) =	sbr.rel @p0 .LBB2_4-.Ltmp1, $4  }
0x89: {  	s25 =	sadd.s32 $0x1480, s25;
	[sflag:s20] =	ssyncadd.s32 $0xFFFFC000  }
0x8a: {  	[spmem:s1] =	stream.indirect.scatter.add.f32 [tilespmem:s18], [sflag:$0x3], $0x80, s25, s16, $0xb8;
	[tilespmem:$0x1E800] =	vst v63  }
0x8b: {  	_ =	swait.ge [sflag:s14], $0x4000  }
0x8c: {  	s26 =	smov.u32 s30;
	s25 =	sshra.s32 s29, $0x2;
	[sflag:s14] =	ssyncset.done $0x0  }
0x8d: {  	s26 =	sadd.s32 $0x80, s25;
	[sflag:s14] =	ssyncadd.s32 $0xFFFFC000  }
0x8e: {  	[tilespmem:s18], [sflag:$0x2] =	stream.indirect.gather [hbm4b:s4+s16], $0x80, s26, s16, $0xb8;
	[tilespmem:$0x1E800] =	vst v63  }
0x8f: {  	_ =	swait.ge [sflag:s19], $0x4000  }
0x90: {  	[sflag:s19] =	ssyncset.done $0x0  }
0x91: {  	s29 =	sadd.s32 $0x1400, s25;
	[sflag:s19] =	ssyncadd.s32 $0xFFFFC000  }
0x92: {  	[spmem:s1] =	stream.indirect.scatter.add.f32 [tilespmem:s17], [sflag:$0x3], $0x80, s29, s16, $0xb8;
	[tilespmem:$0x1E800] =	vst v63  }
0x93: {  	_ =	swait.ge [sflag:s14], $0x4000  }
0x94: {  	[sflag:s14] =	ssyncset.done $0x0  }
0x95: {  	s30 =	sadd.s32 $0x100, s25;
	[sflag:s14] =	ssyncadd.s32 $0xFFFFC000  }
0x96: {  	[tilespmem:s17], [sflag:$0x1] =	stream.indirect.gather [hbm4b:s4+s16], $0x80, s30, s16, $0xb8;
	[tilespmem:$0x1E800] =	vst v63  }
0x97: {  	_ =	swait.ge [sflag:s20], $0x4000  }
0x98: {  	[sflag:s20] =	ssyncset.done $0x0  }
0x99: {  	s31 =	sadd.s32 $0x1480, s25;
	[sflag:s20] =	ssyncadd.s32 $0xFFFFC000  }
0x9a: {  	[spmem:s1] =	stream.indirect.scatter.add.f32 [tilespmem:s18], [sflag:$0x3], $0x80, s31, s16, $0xb8;
	[tilespmem:$0x1E800] =	vst v63  }
0x9b: {  	_ =	swait.ge [sflag:s14], $0x4000  }
0x9c: {  	[sflag:s14] =	ssyncset.done $0x0  }
0x9d: {  	[sflag:s14] =	ssyncadd.s32 $0xFFFFC000  }
0x9e: {  	[tilespmem:s18], [sflag:$0x2] =	stream.indirect.gather [hbm4b:s4+s16], $0x80, s21, s16, $0xb8;
	[tilespmem:$0x1E800] =	vst v63  }
0x9f: {  	_ =	swait.ge [sflag:s19], $0x4000  }
0xa0: {  	[sflag:s19] =	ssyncset.done $0x0  }
0xa1: {  	[sflag:s19] =	ssyncadd.s32 $0xFFFFC000  }
0xa2: {  	[spmem:s1] =	stream.indirect.scatter.add.f32 [tilespmem:s17], [sflag:$0x3], $0x80, s22, s16, $0xb8;
	[tilespmem:$0x1E800] =	vst v63  }
0xa3: {  	_ =	swait.ge [sflag:s14], $0x4000  }
0xa4: {  	[sflag:s14] =	ssyncset.done $0x0  }
0xa5: {  	[sflag:s14] =	ssyncadd.s32 $0xFFFFC000  }
0xa6: {  	_ =	swait.ge [sflag:s20], $0x4000  }
0xa7: {  	[sflag:s20] =	ssyncset.done $0x0  }
0xa8: {  	[sflag:s20] =	ssyncadd.s32 $0xFFFFC000  }
0xa9: {  	[spmem:s1] =	stream.indirect.scatter.add.f32 [tilespmem:s18], [sflag:$0x3], $0x80, s23, s16, $0xb8;
	[tilespmem:$0x1E800] =	vst v63  }
0xaa: {  	_ =	swait.ge [sflag:s14], $0x4000  }
0xab: {  	s24 =	sadd.s32 $0x1, s24;
	[sflag:s14] =	ssyncset.done $0x0  }
0xac: {  	p0 =	sne.s32 s24, s12;
	[sflag:s14] =	ssyncadd.s32 $0xFFFFC000  }
.Ltmp2:
0xad: {  	[bflag:$0x0] =	sbarrier.arrive $0xFFFF;
	(pc) =	sbr.rel @p0 .LBB2_1-.Ltmp2, $4  }
0xae: {  	[hbm:s11], [sflag:s6] =	dma.local [spmem:s13], $0x2800  }
0xaf: {  	_ =	swait.ge [sflag:s14], $0x2800  }
0xb0: {  	[sflag:s14] =	ssyncset.done $0x0  }
0xb1: {  	[sflag:s14] =	ssyncadd.s32 $0xFFFFD800  }
0xb2: {  	_ =	sfence.sel $0x180000  }
0xb3: {  	[bflag:$0x0] =	sbarrier.arrive $0xFFFF  }
0xb4: {  	p0 =	sne.s32 s2, $0x0;
	_ =	strace $0x9000004A  }
0xb5: {  	s0 =	sadd.s32 @!p0 $0x100000, s0;
	[bflag:$0x2] =	sbarrier.arrive $0xFFFF  }
0xb6: {  	[sflag:s0] =	ssyncadd.tile.s32 @!p0 $0x1;
	_ =	shalt  }
.Lfunc_end2:
_tile_overlayer_lowered:
.L_overlay_start_2:
0xb7: {  	(tag) =	ssettag $0x2  }
0xb8: {  	s0 =	rddreg [dreg:$0x0];
	s2 =	stileid.u32  }
0xb9: {  	s1 =	rddreg [dreg:$0x1];
	p0 =	sne.s32 s2, $0x0  }
0xba: {  	s3 =	rddreg [dreg:$0x2];
	[bflag:$0x3] =	sbarrier.arrive $0xFFFF;
	s2 =	simm.s32 @!p0 $0x1C03  }
0xbb: {  	[timem:s3], [sflag:s2] =	dma.local @!p0 [hbm:s0], s1  }
0xbc: {  	s0 =	simm.s32 @!p0 $0x3  }
0xbd: {  	_ =	swait.ge @!p0 [sflag:s0], s1  }
0xbe: {  	s1 =	ssub.s32 @!p0 $0x0, s1;
	[sflag:s0] =	ssyncset.done @!p0 $0x0  }
0xbf: {  	[sflag:s0] =	ssyncadd.s32 @!p0 s1  }
0xc0: {  	[bflag:$0x3] =	sbarrier.arrive $0xFFFF  }
0xc1: {  	_ =	shalt  }

// kernel: kernel.15.cloned.1.call-start
scs
__scs_entry_jumppad:
0x0: {  	(pc) =	sbr.rel $0x88, $3  }
0x1: {  	(tag) =	ssettag $0x0;
	lr =	simm.s32 $0x1  }
0x2: {  	[smem:$0x3F9B] =	sst lr;
	_ =	strace $0xD0000000  }
0x3: {  	_ = 	snop  }
0x4: {  	_ = 	snop  }
0x5: {  	_ = 	snop  }
0x6: {  	_ = 	snop  }
0x7: {  	_ = 	snop  }
__scs_overlays_trampoline_lowered:
0x8: {  	[smem:$0x3FAA] =	sst s0  }
0x9: {  	[smem:$0x3FAB] =	sst s1  }
0xa: {  	[smem:$0x3FAC] =	sst s2  }
0xb: {  	[smem:$0x3FAD] =	sst s3  }
0xc: {  	[smem:$0x3FAE] =	sst s4  }
0xd: {  	[smem:$0x3FAF] =	sst s5  }
0xe: {  	[smem:$0x3FB0] =	sst s6  }
0xf: {  	[smem:$0x3FB1] =	sst s7  }
0x10: {  	[smem:$0x3FB2] =	sst s8  }
0x11: {  	[smem:$0x3FB3] =	sst s9;
	s0 =	simm.s32 @!p0 $0x0  }
0x12: {  	s1 =	sld [smem:$0x3F99];
	s0 =	simm.s32 @p0 $0x1  }
0x13: {  	[smem:$0x3FB4] =	sst s0;
	s0 =	simm.s32 @!p1 $0x0  }
0x14: {  	s2 =	sld [smem:$0x3F98];
	s0 =	simm.s32 @p1 $0x1  }
0x15: {  	[smem:$0x3FB5] =	sst s0;
	s0 =	simm.s32 @!p2 $0x0  }
0x16: {  	s3 =	sld [smem:$0x3FDB];
	s0 =	simm.s32 @p2 $0x1  }
0x17: {  	s4 =	simm.s32 $0x1BF5;
	[smem:$0x3FB7] =	sst s0  }
0x18: {  	s0 =	sld [smem:$0x3F9A];
	_ =	swait.ge [sflag:s4], $0x0  }
0x19: {  	s7 =	sld [smem:$0x3F9B]  }
0x1a: {  	s8 =	sadd.s32 $0xFFFFE003, lr  }
0x1b: {  	s9 =	sadd.s32 $0xFFFFFEF7, lr;
	s5 =	simm.s32 $0xFFFFFFFF;
	p2 =	slt.u32 s8, $0xFFFFF086  }
0x1c: {  	p1 =	slt.u32 s9, $0xF7A;
	s5 =	simm.s32 @!p2 $0x0  }
0x1d: {  	s5 =	simm.s32 @p1 $0x1;
	p0 =	seq.s32 s7, s2  }
0x1e: {  	s7 =	smul.u32 @!p0 $0xF7A, s2;
	p2 =	seq.s32 @!p0 s5, $0x0  }
0x1f: {  	s9 =	smul.u32 $0xF7A, s1;
	s8 =	simm.s32 @!p0 $0x1BF5;
	p2 =	por !p2, p0  }
0x20: {  	[sflag:s8] =	ssyncset.s32 @!p0 $0xFFFFF086;
	s6 =	sadd.s32 @!p0 s3, s7;
	s7 =	simm.s32 @!p0 $0x108  }
0x21: {  	s3 =	sadd.s32 s3, s9;
	s6 =	sadd.s32 @!p0 $0x88, s6;
	s7 =	simm.s32 @p2 $0x1082  }
0x22: {  	[simem:s7], [sflag:s8] =	dma.local @!p0 [hbm:s6], $0xF7A  }
0x23: {  	s9 =	sor.u32 $0xD0000000, s2;
	s6 =	simm.s32 $0x108;
	_ =	swait.ge @!p0 [sflag:s8], $0x0  }
0x24: {  	s3 =	sadd.s32 $0x88, s3;
	s6 =	simm.s32 @!p1 $0x1082;
	[sflag:s4] =	ssyncset.s32 $0xFFFFF086  }
0x25: {  	[simem:s6], [sflag:s4] =	dma.local [hbm:s3], $0xF7A  }
0x26: {  	[smem:$0x3F9B] =	sst s1;
	(tag) =	ssettag s2;
	_ =	strace s9  }
0x27: {  	s1 =	sld [smem:$0x3FAB]  }
0x28: {  	s2 =	sld [smem:$0x3FAC]  }
0x29: {  	s4 =	sld [smem:$0x3FAE]  }
0x2a: {  	p0 =	seq.s32 s5, $0x0;
	s5 =	sld [smem:$0x3FAF]  }
0x2b: {  	s6 =	sld [smem:$0x3FB0]  }
0x2c: {  	s7 =	sld [smem:$0x3FB1]  }
0x2d: {  	s3 =	simm.s32 $0x108;
	s8 =	sld [smem:$0x3FB2]  }
0x2e: {  	s3 =	simm.s32 @!p0 $0x1082;
	s9 =	sld [smem:$0x3FB3]  }
0x2f: {  	lr =	sadd.s32 s0, s3;
	s0 =	sld [smem:$0x3FAA]  }
0x30: {  	s3 =	sld [smem:$0x3FAD]  }
0x31: {  	[smem:$0x3FB6] =	sst s10  }
0x32: {  	s10 =	sld [smem:$0x3FB4];
	_ =	sdelay $0x3  }
0x33: {  	p0 =	seq.s32 s10, $0x1;
	s10 =	sld [smem:$0x3FB6];
	_ =	sdelay $0x3  }
0x34: {  	[smem:$0x3FB6] =	sst s10  }
0x35: {  	s10 =	sld [smem:$0x3FB5];
	_ =	sdelay $0x3  }
0x36: {  	p1 =	seq.s32 s10, $0x1;
	s10 =	sld [smem:$0x3FB6];
	_ =	sdelay $0x3  }
0x37: {  	[smem:$0x3FB6] =	sst s10  }
0x38: {  	s10 =	sld [smem:$0x3FB7]  }
0x39: {  	_ = 	snop;
	(pc) =	sbr.ind lr, $3  }
0x3a: {  	_ = 	snop  }
0x3b: {  	_ = 	snop  }
0x3c: {  	p2 =	seq.s32 s10, $0x1;
	s10 =	sld [smem:$0x3FB6]  }
0x3d: {  	_ =	shalt  }
0x3e: {  	_ =	shalt  }
0x3f: {  	_ =	shalt  }
0x40: {  	_ =	shalt  }
0x41: {  	_ =	shalt  }
0x42: {  	_ =	shalt  }
0x43: {  	_ =	shalt  }
0x44: {  	_ =	shalt  }
0x45: {  	_ =	shalt  }
0x46: {  	_ =	shalt  }
0x47: {  	_ =	shalt  }
0x48: {  	_ =	shalt  }
0x49: {  	_ =	shalt  }
0x4a: {  	_ =	shalt  }
0x4b: {  	_ =	shalt  }
0x4c: {  	_ =	shalt  }
0x4d: {  	_ =	shalt  }
0x4e: {  	_ =	shalt  }
0x4f: {  	_ =	shalt  }
0x50: {  	_ =	shalt  }
0x51: {  	_ =	shalt  }
0x52: {  	_ =	shalt  }
0x53: {  	_ =	shalt  }
0x54: {  	_ =	shalt  }
0x55: {  	_ =	shalt  }
0x56: {  	_ =	shalt  }
0x57: {  	_ =	shalt  }
0x58: {  	_ =	shalt  }
0x59: {  	_ =	shalt  }
0x5a: {  	_ =	shalt  }
0x5b: {  	_ =	shalt  }
0x5c: {  	_ =	shalt  }
0x5d: {  	_ =	shalt  }
0x5e: {  	_ =	shalt  }
0x5f: {  	_ =	shalt  }
0x60: {  	_ =	shalt  }
0x61: {  	_ =	shalt  }
0x62: {  	_ =	shalt  }
0x63: {  	_ =	shalt  }
0x64: {  	_ =	shalt  }
0x65: {  	_ =	shalt  }
0x66: {  	_ =	shalt  }
0x67: {  	_ =	shalt  }
0x68: {  	_ =	shalt  }
0x69: {  	_ =	shalt  }
0x6a: {  	_ =	shalt  }
0x6b: {  	_ =	shalt  }
0x6c: {  	_ =	shalt  }
0x6d: {  	_ =	shalt  }
0x6e: {  	_ =	shalt  }
0x6f: {  	_ =	shalt  }
0x70: {  	_ =	shalt  }
0x71: {  	_ =	shalt  }
0x72: {  	_ =	shalt  }
0x73: {  	_ =	shalt  }
0x74: {  	_ =	shalt  }
0x75: {  	_ =	shalt  }
0x76: {  	_ =	shalt  }
0x77: {  	_ =	shalt  }
0x78: {  	_ =	shalt  }
0x79: {  	_ =	shalt  }
0x7a: {  	_ =	shalt  }
0x7b: {  	_ =	shalt  }
0x7c: {  	_ =	shalt  }
0x7d: {  	_ =	shalt  }
0x7e: {  	_ =	shalt  }
0x7f: {  	_ =	shalt  }
0x80: {  	_ =	shalt  }
0x81: {  	_ =	shalt  }
0x82: {  	_ =	shalt  }
0x83: {  	_ =	shalt  }
0x84: {  	_ =	shalt  }
0x85: {  	_ =	shalt  }
0x86: {  	_ =	shalt  }
0x87: {  	_ =	shalt  }
.Lfunc_end0:
.L_simem_size_0:
called_computation.2_lowered:
.L_overlay_start_0:
0x88: {  	s2 =	sld [smem:$0x3FD9]  }
0x89: {  	s3 =	sld [smem:$0x3FFE];
	_ =	sdelay $0x1  }
0x8a: {  	s1 =	srdreg.scid  }
0x8b: {  	s0 =	sand.u32 $0x1, s1  }
0x8c: {  	s17 =	sshll.u32 s0, $0xA;
	s2 =	sadd.s32 s3, s2  }
0x8d: {  	s2 =	sadd.s32 s2, s17  }
0x8e: {  	[smem:$0x3FC2] =	sst s2  }
0x8f: {  	_ = 	snop  }
0x90: {  	s2 =	sld [smem:$0x3FD0];
	(tm) =	ssettm $0x1  }
0x91: {  	s18 =	sld [smem:$0x3FFB];
	_ =	sdelay $0x3  }
0x92: {  	_ =	strace s18  }
0x93: {  	s3 =	sld [smem:$0x3FFC];
	_ =	sdelay $0x3  }
0x94: {  	_ =	strace s3  }
0x95: {  	s3 =	sld [smem:$0x3FFD];
	_ =	sdelay $0x3  }
0x96: {  	_ =	strace s3  }
0x97: {  	_ =	strace $0x8FFFFFFF  }
0x98: {  	s19 =	sld [smem:$0x3FDB];
	_ =	sdelay $0x1  }
0x99: {  	s4 =	simm.s32 $_scs_section_size  }
0x9a: {  	s5 =	simm.s32 $_size__tile_overlayer_lowered;
	s6 =	simm.s32 $_tile_overlayer_lowered  }
0x9b: {  	s22 =	simm.s32 $0x1BFF;
	s21 =	sshll.u32 s6, $0x1;
	s3 =	sadd.s32 s4, s19  }
0x9c: {  	s7 =	simm.s32 $0x0;
	s20 =	sshll.u32 s5, $0x1;
	s5 =	sadd.s32 s21, s3  }
0x9d: {  	[timem:s7], [sflag:s22] =	dma.local [hbm:s5], s20  }
0x9e: {  	_ =	swait.ge [sflag:s22], s20  }
0x9f: {  	s4 =	ssub.s32 $0x0, s20;
	[sflag:s22] =	ssyncset.done $0x0  }
0xa0: {  	[sflag:s22] =	ssyncadd.s32 s4;
	_ =	sdelay $0x1  }
0xa1: {  	s23 =	simm.s32 $0x1B8B  }
0xa2: {  	_ =	swait.ge [sflag:s23], $0x1  }
0xa3: {  	[sflag:s23] =	ssyncset.done $0x0  }
0xa4: {  	s25 =	simm.s32 $0x1B8E;
	s24 =	sld [smem:$0x3FFE];
	[sflag:s23] =	ssyncadd.s32 $0xFFFFFFFF  }
0xa5: {  	s26 =	simm.s32 $execute0_lowered;
	[smem:$0x3FD2] =	sst s25  }
0xa6: {  	s5 =	sshll.u32 s26, $0x1;
	_ =	strace $0x8000004C;
	[dreg:$0x1] =	wrdreg $0xFFFFFFFF  }
0xa7: {  	s28 =	simm.s32 $_size_execute0_lowered;
	s3 =	sadd.s32 s3, s5;
	[dreg:$0x0] =	wrdreg $0x0  }
0xa8: {  	s5 =	sshll.u32 s28, $0x1;
	[dreg:$0x2] =	wrdreg s3  }
0xa9: {  	[dreg:$0x3] =	wrdreg s5  }
0xaa: {  	[dreg:$0x4] =	wrdreg $0xC0  }
0xab: {  	_ =	task [dreg:s7], $0x5FFFF  }
0xac: {  	[dreg:$0x1] =	wrdreg $0xFFFFFFFF  }
0xad: {  	[dreg:$0x0] =	wrdreg $0x60  }
0xae: {  	[dreg:$0x2] =	wrdreg s24  }
0xaf: {  	[dreg:$0x3] =	wrdreg s2  }
0xb0: {  	[dreg:$0x4] =	wrdreg $0xA8000  }
0xb1: {  	[dreg:$0x5] =	wrdreg $0x9  }
0xb2: {  	_ =	task.clear_ibuf [dreg:s7], $0x6FFFF;
	_ =	strace $0x9000004C  }
0xb3: {  	s29 =	simm.s32 $0x9;
	_ =	strace $0x8000004E  }
0xb4: {  	_ =	swait.ge [sflag:s29], $0x1  }
0xb5: {  	[sflag:s29] =	ssyncadd.s32 $0xFFFFFFFF  }
0xb6: {  	_ =	strace $0x9000004E  }
0xb7: {  	_ =	sfence  }
0xb8: {  	s30 =	sld [smem:$0x0];
	_ =	sdelay $0x2  }
0xb9: {  	s31 =	sshll.u32 s1, $0xD;
	s1 =	sshrl.u32 s1, $0x2  }
0xba: {  	s3 =	sand.u32 $0x4000, s31;
	s1 =	sadd.s32 s1, s30  }
0xbb: {  	s0 =	sor.u32 s3, s0;
	s1 =	sshll.u32 s1, $0x11  }
0xbc: {  	s0 =	sor.u32 s1, s0  }
0xbd: {  	s0 =	sadd.s32 $0x8F2B, s0  }
0xbe: {  	[sflag:s0] =	ssyncadd.remote.s32 $0x1  }
0xbf: {  	_ =	sfence.sel $0xFFFF  }
0xc0: {  	[dreg:$0x0] =	wrdreg $0xFFFFFFFF;
	(pc) =	sbr.abs _section_cstart, $3  }
0xc1: {  	[dreg:$0x1] =	wrdreg $0xFFFFFFFF  }
0xc2: {  	_ =	task.clear_ibuf [dreg:s7], $0x2FFFF;
	_ =	strace $0x9FFFFFFF  }
0xc3: {  	(tm) =	ssettm $0x7FFFFFFF  }
tec
execute0_lowered:
.L_overlay_start_1:
0x0: {  	(tag) =	ssettag $0x1  }
0x1: {  	s6 =	rddreg [dreg:$0x0]  }
0x2: {  	s9 =	rddreg [dreg:$0x1]  }
0x3: {  	s1 =	rddreg [dreg:$0x2]  }
0x4: {  	s2 =	srdreg.scid;
	s0 =	rddreg [dreg:$0x3]  }
0x5: {  	s3 =	simm.s32 $0x0;
	s16 =	simm.s32 $0x80;
	s17 =	simm.s32 $0x2800  }
0x6: {  	s18 =	simm.s32 $0x6800;
	s19 =	simm.s32 $0x1;
	s20 =	simm.s32 $0x2  }
0x7: {  	s21 =	simm.s32 $0x1380;
	s22 =	simm.s32 $0x2700;
	s23 =	simm.s32 $0x2780  }
0x8: {  	s24 =	simm.s32 $0x0;
	s7 =	sand.u32 $0x1, s2;
	s2 =	stileid.u32  }
0x9: {  	[smem:$0x7FF] =	sst s3;
	s4 =	sadd.s32 $0x5FA00, s6;
	s8 =	smul.u32 $0x140000, s7  }
0xa: {  	s11 =	sadd.s32 $0x2A00, s6;
	s5 =	sadd.s32 $0xD200, s6;
	s10 =	smul.u32 $0x14000, s2  }
0xb: {  	_ =	strace $0x8000004D;
	s25 =	sshll.u32 s7, $0x4;
	s7 =	ssub.s32 $0x2, s7  }
0xc: {  	s12 =	smul.u32 $0x50000, s2;
	s28 =	sshll.u32 s2, $0x6;
	s13 =	sshrl.u32 s7, $0x1  }
0xd: {  	s8 =	sadd.s32 s10, s8;
	s10 =	sor.u32 s2, s25;
	s13 =	ssub.s32 s7, s13  }
0xe: {  	s26 =	sshrl.u32 s12, $0x2;
	s8 =	sshrl.u32 s8, $0x3;
	s14 =	smul.u32 $0x2800, s10  }
0xf: {  	s29 =	smul.u32 $0x500, s10;
	s31 =	sadd.s32 s26, s1;
	s12 =	smax.u32 s13, $0x1  }
0x10: {  	s15 =	sadd.s32 s8, s6;
	s6 =	sor.u32 $0x1C03, s28;
	s30 =	sshrl.u32 s14, $0x3  }
0x11: {  	s13 =	sshrl.u32 s31, $0x3;
	s7 =	sadd.s32 s9, s29;
	s10 =	sadd.s32 $0x280, s30  }
0x12: {  	s8 =	sadd.s32 s11, s29;
	s14 =	simm.s32 $0x3;
	s9 =	sadd.s32 s9, s10  }
0x13: {  	s10 =	sadd.s32 s11, s10;
	s11 =	sadd.s32 $0x87A00, s15;
	s15 =	simm.s32 $0x1400  }
.LBB2_1:
0x14: {  	[spmem:s13], [sflag:s6] =	dma.local [hbm:s5], $0x2800  }
0x15: {  	_ =	swait.ge [sflag:s14], $0x2800  }
0x16: {  	[sflag:s14] =	ssyncset.done $0x0  }
0x17: {  	[sflag:s14] =	ssyncadd.s32 $0xFFFFD800  }
0x18: {  	[bflag:$0x0] =	sbarrier.arrive $0xFFFF  }
0x19: {  	[tilespmem:s3], [sflag:$0x3] =	stream.linear.gather [hbm4b:s7+s3], $0x1400, $0x38;
	[tilespmem:$0x1E800] =	vst v63  }
0x1a: {  	_ =	swait.ge [sflag:s14], $0x1400  }
0x1b: {  	[sflag:s14] =	ssyncset.done $0x0  }
0x1c: {  	[sflag:s14] =	ssyncadd.s32 $0xFFFFEC00  }
0x1d: {  	[tilespmem:s15], [sflag:$0x3] =	stream.linear.gather [hbm4b:s8+s3], $0x1400, $0x38;
	[tilespmem:$0x1E800] =	vst v63  }
0x1e: {  	_ =	swait.ge [sflag:s14], $0x1400  }
0x1f: {  	[sflag:s14] =	ssyncset.done $0x0  }
0x20: {  	[sflag:s14] =	ssyncadd.s32 $0xFFFFEC00  }
0x21: {  	[tilespmem:s17], [sflag:$0x1] =	stream.indirect.gather [hbm4b:s4+s16], $0x80, s3, s16, $0xb8;
	[tilespmem:$0x1E800] =	vst v63  }
0x22: {  	s25 =	simm.s32 $0x80  }
0x23: {  	[tilespmem:s18], [sflag:$0x2] =	stream.indirect.gather [hbm4b:s4+s16], $0x80, s25, s16, $0xb8;
	[tilespmem:$0x1E800] =	vst v63  }
0x24: {  	_ =	swait.ge [sflag:s19], $0x4000  }
0x25: {  	[sflag:s19] =	ssyncset.done $0x0  }
0x26: {  	s29 =	simm.s32 $0x1400;
	[sflag:s19] =	ssyncadd.s32 $0xFFFFC000  }
0x27: {  	[spmem:s1] =	stream.indirect.scatter.add.f32 [tilespmem:s17], [sflag:$0x3], $0x80, s29, s16, $0xb8;
	[tilespmem:$0x1E800] =	vst v63  }
0x28: {  	_ =	swait.ge [sflag:s14], $0x4000  }
0x29: {  	[sflag:s14] =	ssyncset.done $0x0  }
0x2a: {  	s30 =	simm.s32 $0x100;
	[sflag:s14] =	ssyncadd.s32 $0xFFFFC000  }
0x2b: {  	[tilespmem:s17], [sflag:$0x1] =	stream.indirect.gather [hbm4b:s4+s16], $0x80, s30, s16, $0xb8;
	[tilespmem:$0x1E800] =	vst v63  }
0x2c: {  	_ =	swait.ge [sflag:s20], $0x4000  }
0x2d: {  	[sflag:s20] =	ssyncset.done $0x0  }
0x2e: {  	s31 =	simm.s32 $0x1480;
	[sflag:s20] =	ssyncadd.s32 $0xFFFFC000  }
0x2f: {  	[spmem:s1] =	stream.indirect.scatter.add.f32 [tilespmem:s18], [sflag:$0x3], $0x80, s31, s16, $0xb8;
	[tilespmem:$0x1E800] =	vst v63  }
0x30: {  	_ =	swait.ge [sflag:s14], $0x4000  }
0x31: {  	s26 =	simm.s32 $0x800;
	s25 =	simm.s32 $0x100;
	[sflag:s14] =	ssyncset.done $0x0  }
.LBB2_2:
0x32: {  	s28 =	sadd.s32 $0x80, s25  }
0x33: {  	[sflag:s14] =	ssyncadd.s32 $0xFFFFC000;
	s29 =	smov.u32 s26;
	s30 =	sadd.s32 $0x400, s26  }
0x34: {  	[tilespmem:s18], [sflag:$0x2] =	stream.indirect.gather [hbm4b:s4+s16], $0x80, s28, s16, $0xb8;
	[tilespmem:$0x1E800] =	vst v63  }
0x35: {  	p0 =	sne.s32 s26, $0x4800;
	_ =	swait.ge [sflag:s19], $0x4000  }
0x36: {  	[sflag:s19] =	ssyncset.done $0x0  }
0x37: {  	s26 =	sadd.s32 $0x1400, s25;
	[sflag:s19] =	ssyncadd.s32 $0xFFFFC000  }
0x38: {  	[spmem:s1] =	stream.indirect.scatter.add.f32 [tilespmem:s17], [sflag:$0x3], $0x80, s26, s16, $0xb8;
	[tilespmem:$0x1E800] =	vst v63  }
0x39: {  	_ =	swait.ge [sflag:s14], $0x4000  }
0x3a: {  	[sflag:s14] =	ssyncset.done $0x0  }
0x3b: {  	s26 =	sadd.s32 $0x100, s25;
	[sflag:s14] =	ssyncadd.s32 $0xFFFFC000  }
0x3c: {  	[tilespmem:s17], [sflag:$0x1] =	stream.indirect.gather [hbm4b:s4+s16], $0x80, s26, s16, $0xb8;
	[tilespmem:$0x1E800] =	vst v63  }
0x3d: {  	_ =	swait.ge [sflag:s20], $0x4000  }
.Ltmp0:
0x3e: {  	[sflag:s20] =	ssyncset.done $0x0;
	(pc) =	sbr.rel @p0 .LBB2_2-.Ltmp0, $4  }
0x3f: {  	s25 =	sadd.s32 $0x1480, s25;
	[sflag:s20] =	ssyncadd.s32 $0xFFFFC000  }
0x40: {  	[spmem:s1] =	stream.indirect.scatter.add.f32 [tilespmem:s18], [sflag:$0x3], $0x80, s25, s16, $0xb8;
	[tilespmem:$0x1E800] =	vst v63  }
0x41: {  	_ =	swait.ge [sflag:s14], $0x4000  }
0x42: {  	s26 =	smov.u32 s30;
	s25 =	sshra.s32 s29, $0x2;
	[sflag:s14] =	ssyncset.done $0x0  }
0x43: {  	s26 =	sadd.s32 $0x80, s25;
	[sflag:s14] =	ssyncadd.s32 $0xFFFFC000  }
0x44: {  	[tilespmem:s18], [sflag:$0x2] =	stream.indirect.gather [hbm4b:s4+s16], $0x80, s26, s16, $0xb8;
	[tilespmem:$0x1E800] =	vst v63  }
0x45: {  	_ =	swait.ge [sflag:s19], $0x4000  }
0x46: {  	[sflag:s19] =	ssyncset.done $0x0  }
0x47: {  	s29 =	sadd.s32 $0x1400, s25;
	[sflag:s19] =	ssyncadd.s32 $0xFFFFC000  }
0x48: {  	[spmem:s1] =	stream.indirect.scatter.add.f32 [tilespmem:s17], [sflag:$0x3], $0x80, s29, s16, $0xb8;
	[tilespmem:$0x1E800] =	vst v63  }
0x49: {  	_ =	swait.ge [sflag:s14], $0x4000  }
0x4a: {  	[sflag:s14] =	ssyncset.done $0x0  }
0x4b: {  	s30 =	sadd.s32 $0x100, s25;
	[sflag:s14] =	ssyncadd.s32 $0xFFFFC000  }
0x4c: {  	[tilespmem:s17], [sflag:$0x1] =	stream.indirect.gather [hbm4b:s4+s16], $0x80, s30, s16, $0xb8;
	[tilespmem:$0x1E800] =	vst v63  }
0x4d: {  	_ =	swait.ge [sflag:s20], $0x4000  }
0x4e: {  	[sflag:s20] =	ssyncset.done $0x0  }
0x4f: {  	s31 =	sadd.s32 $0x1480, s25;
	[sflag:s20] =	ssyncadd.s32 $0xFFFFC000  }
0x50: {  	[spmem:s1] =	stream.indirect.scatter.add.f32 [tilespmem:s18], [sflag:$0x3], $0x80, s31, s16, $0xb8;
	[tilespmem:$0x1E800] =	vst v63  }
0x51: {  	_ =	swait.ge [sflag:s14], $0x4000  }
0x52: {  	[sflag:s14] =	ssyncset.done $0x0  }
0x53: {  	[sflag:s14] =	ssyncadd.s32 $0xFFFFC000  }
0x54: {  	[tilespmem:s18], [sflag:$0x2] =	stream.indirect.gather [hbm4b:s4+s16], $0x80, s21, s16, $0xb8;
	[tilespmem:$0x1E800] =	vst v63  }
0x55: {  	_ =	swait.ge [sflag:s19], $0x4000  }
0x56: {  	[sflag:s19] =	ssyncset.done $0x0  }
0x57: {  	[sflag:s19] =	ssyncadd.s32 $0xFFFFC000  }
0x58: {  	[spmem:s1] =	stream.indirect.scatter.add.f32 [tilespmem:s17], [sflag:$0x3], $0x80, s22, s16, $0xb8;
	[tilespmem:$0x1E800] =	vst v63  }
0x59: {  	_ =	swait.ge [sflag:s14], $0x4000  }
0x5a: {  	[sflag:s14] =	ssyncset.done $0x0  }
0x5b: {  	[sflag:s14] =	ssyncadd.s32 $0xFFFFC000  }
0x5c: {  	_ =	swait.ge [sflag:s20], $0x4000  }
0x5d: {  	[sflag:s20] =	ssyncset.done $0x0  }
0x5e: {  	[sflag:s20] =	ssyncadd.s32 $0xFFFFC000  }
0x5f: {  	[spmem:s1] =	stream.indirect.scatter.add.f32 [tilespmem:s18], [sflag:$0x3], $0x80, s23, s16, $0xb8;
	[tilespmem:$0x1E800] =	vst v63  }
0x60: {  	_ =	swait.ge [sflag:s14], $0x4000  }
0x61: {  	[sflag:s14] =	ssyncset.done $0x0  }
0x62: {  	s26 =	simm.s32 $0x0;
	[sflag:s14] =	ssyncadd.s32 $0xFFFFC000  }
0x63: {  	[tilespmem:s26], [sflag:$0x3] =	stream.linear.gather [hbm4b:s9+s26], $0x1400, $0x38;
	[tilespmem:$0x1E800] =	vst v63  }
0x64: {  	_ =	swait.ge [sflag:s14], $0x1400  }
0x65: {  	[sflag:s14] =	ssyncset.done $0x0  }
0x66: {  	[sflag:s14] =	ssyncadd.s32 $0xFFFFEC00  }
0x67: {  	[tilespmem:s15], [sflag:$0x3] =	stream.linear.gather [hbm4b:s10+s26], $0x1400, $0x38;
	[tilespmem:$0x1E800] =	vst v63  }
0x68: {  	_ =	swait.ge [sflag:s14], $0x1400  }
0x69: {  	[sflag:s14] =	ssyncset.done $0x0  }
0x6a: {  	[sflag:s14] =	ssyncadd.s32 $0xFFFFEC00  }
0x6b: {  	[tilespmem:s17], [sflag:$0x1] =	stream.indirect.gather [hbm4b:s4+s16], $0x80, s26, s16, $0xb8;
	[tilespmem:$0x1E800] =	vst v63  }
0x6c: {  	s28 =	simm.s32 $0x80  }
0x6d: {  	[tilespmem:s18], [sflag:$0x2] =	stream.indirect.gather [hbm4b:s4+s16], $0x80, s28, s16, $0xb8;
	[tilespmem:$0x1E800] =	vst v63  }
0x6e: {  	_ =	swait.ge [sflag:s19], $0x4000  }
0x6f: {  	[sflag:s19] =	ssyncset.done $0x0  }
0x70: {  	s29 =	simm.s32 $0x1400;
	[sflag:s19] =	ssyncadd.s32 $0xFFFFC000  }
0x71: {  	[spmem:s1] =	stream.indirect.scatter.add.f32 [tilespmem:s17], [sflag:$0x3], $0x80, s29, s16, $0xb8;
	[tilespmem:$0x1E800] =	vst v63  }
0x72: {  	_ =	swait.ge [sflag:s14], $0x4000  }
0x73: {  	[sflag:s14] =	ssyncset.done $0x0  }
0x74: {  	s30 =	simm.s32 $0x100;
	[sflag:s14] =	ssyncadd.s32 $0xFFFFC000  }
0x75: {  	[tilespmem:s17], [sflag:$0x1] =	stream.indirect.gather [hbm4b:s4+s16], $0x80, s30, s16, $0xb8;
	[tilespmem:$0x1E800] =	vst v63  }
0x76: {  	_ =	swait.ge [sflag:s20], $0x4000  }
0x77: {  	[sflag:s20] =	ssyncset.done $0x0  }
0x78: {  	s31 =	simm.s32 $0x1480;
	[sflag:s20] =	ssyncadd.s32 $0xFFFFC000  }
0x79: {  	[spmem:s1] =	stream.indirect.scatter.add.f32 [tilespmem:s18], [sflag:$0x3], $0x80, s31, s16, $0xb8;
	[tilespmem:$0x1E800] =	vst v63  }
0x7a: {  	_ =	swait.ge [sflag:s14], $0x4000  }
0x7b: {  	s25 =	simm.s32 $0x100;
	s26 =	simm.s32 $0x800;
	[sflag:s14] =	ssyncset.done $0x0  }
.LBB2_4:
0x7c: {  	s28 =	sadd.s32 $0x80, s25  }
0x7d: {  	[sflag:s14] =	ssyncadd.s32 $0xFFFFC000;
	s29 =	smov.u32 s26;
	s30 =	sadd.s32 $0x400, s26  }
0x7e: {  	[tilespmem:s18], [sflag:$0x2] =	stream.indirect.gather [hbm4b:s4+s16], $0x80, s28, s16, $0xb8;
	[tilespmem:$0x1E800] =	vst v63  }
0x7f: {  	p0 =	sne.s32 s26, $0x4800;
	_ =	swait.ge [sflag:s19], $0x4000  }
0x80: {  	[sflag:s19] =	ssyncset.done $0x0  }
0x81: {  	s26 =	sadd.s32 $0x1400, s25;
	[sflag:s19] =	ssyncadd.s32 $0xFFFFC000  }
0x82: {  	[spmem:s1] =	stream.indirect.scatter.add.f32 [tilespmem:s17], [sflag:$0x3], $0x80, s26, s16, $0xb8;
	[tilespmem:$0x1E800] =	vst v63  }
0x83: {  	_ =	swait.ge [sflag:s14], $0x4000  }
0x84: {  	[sflag:s14] =	ssyncset.done $0x0  }
0x85: {  	s26 =	sadd.s32 $0x100, s25;
	[sflag:s14] =	ssyncadd.s32 $0xFFFFC000  }
0x86: {  	[tilespmem:s17], [sflag:$0x1] =	stream.indirect.gather [hbm4b:s4+s16], $0x80, s26, s16, $0xb8;
	[tilespmem:$0x1E800] =	vst v63  }
0x87: {  	_ =	swait.ge [sflag:s20], $0x4000  }
.Ltmp1:
0x88: {  	[sflag:s20] =	ssyncset.done $0x0;
	(pc) =	sbr.rel @p0 .LBB2_4-.Ltmp1, $4  }
0x89: {  	s25 =	sadd.s32 $0x1480, s25;
	[sflag:s20] =	ssyncadd.s32 $0xFFFFC000  }
0x8a: {  	[spmem:s1] =	stream.indirect.scatter.add.f32 [tilespmem:s18], [sflag:$0x3], $0x80, s25, s16, $0xb8;
	[tilespmem:$0x1E800] =	vst v63  }
0x8b: {  	_ =	swait.ge [sflag:s14], $0x4000  }
0x8c: {  	s26 =	smov.u32 s30;
	s25 =	sshra.s32 s29, $0x2;
	[sflag:s14] =	ssyncset.done $0x0  }
0x8d: {  	s26 =	sadd.s32 $0x80, s25;
	[sflag:s14] =	ssyncadd.s32 $0xFFFFC000  }
0x8e: {  	[tilespmem:s18], [sflag:$0x2] =	stream.indirect.gather [hbm4b:s4+s16], $0x80, s26, s16, $0xb8;
	[tilespmem:$0x1E800] =	vst v63  }
0x8f: {  	_ =	swait.ge [sflag:s19], $0x4000  }
0x90: {  	[sflag:s19] =	ssyncset.done $0x0  }
0x91: {  	s29 =	sadd.s32 $0x1400, s25;
	[sflag:s19] =	ssyncadd.s32 $0xFFFFC000  }
0x92: {  	[spmem:s1] =	stream.indirect.scatter.add.f32 [tilespmem:s17], [sflag:$0x3], $0x80, s29, s16, $0xb8;
	[tilespmem:$0x1E800] =	vst v63  }
0x93: {  	_ =	swait.ge [sflag:s14], $0x4000  }
0x94: {  	[sflag:s14] =	ssyncset.done $0x0  }
0x95: {  	s30 =	sadd.s32 $0x100, s25;
	[sflag:s14] =	ssyncadd.s32 $0xFFFFC000  }
0x96: {  	[tilespmem:s17], [sflag:$0x1] =	stream.indirect.gather [hbm4b:s4+s16], $0x80, s30, s16, $0xb8;
	[tilespmem:$0x1E800] =	vst v63  }
0x97: {  	_ =	swait.ge [sflag:s20], $0x4000  }
0x98: {  	[sflag:s20] =	ssyncset.done $0x0  }
0x99: {  	s31 =	sadd.s32 $0x1480, s25;
	[sflag:s20] =	ssyncadd.s32 $0xFFFFC000  }
0x9a: {  	[spmem:s1] =	stream.indirect.scatter.add.f32 [tilespmem:s18], [sflag:$0x3], $0x80, s31, s16, $0xb8;
	[tilespmem:$0x1E800] =	vst v63  }
0x9b: {  	_ =	swait.ge [sflag:s14], $0x4000  }
0x9c: {  	[sflag:s14] =	ssyncset.done $0x0  }
0x9d: {  	[sflag:s14] =	ssyncadd.s32 $0xFFFFC000  }
0x9e: {  	[tilespmem:s18], [sflag:$0x2] =	stream.indirect.gather [hbm4b:s4+s16], $0x80, s21, s16, $0xb8;
	[tilespmem:$0x1E800] =	vst v63  }
0x9f: {  	_ =	swait.ge [sflag:s19], $0x4000  }
0xa0: {  	[sflag:s19] =	ssyncset.done $0x0  }
0xa1: {  	[sflag:s19] =	ssyncadd.s32 $0xFFFFC000  }
0xa2: {  	[spmem:s1] =	stream.indirect.scatter.add.f32 [tilespmem:s17], [sflag:$0x3], $0x80, s22, s16, $0xb8;
	[tilespmem:$0x1E800] =	vst v63  }
0xa3: {  	_ =	swait.ge [sflag:s14], $0x4000  }
0xa4: {  	[sflag:s14] =	ssyncset.done $0x0  }
0xa5: {  	[sflag:s14] =	ssyncadd.s32 $0xFFFFC000  }
0xa6: {  	_ =	swait.ge [sflag:s20], $0x4000  }
0xa7: {  	[sflag:s20] =	ssyncset.done $0x0  }
0xa8: {  	[sflag:s20] =	ssyncadd.s32 $0xFFFFC000  }
0xa9: {  	[spmem:s1] =	stream.indirect.scatter.add.f32 [tilespmem:s18], [sflag:$0x3], $0x80, s23, s16, $0xb8;
	[tilespmem:$0x1E800] =	vst v63  }
0xaa: {  	_ =	swait.ge [sflag:s14], $0x4000  }
0xab: {  	s24 =	sadd.s32 $0x1, s24;
	[sflag:s14] =	ssyncset.done $0x0  }
0xac: {  	p0 =	sne.s32 s24, s12;
	[sflag:s14] =	ssyncadd.s32 $0xFFFFC000  }
.Ltmp2:
0xad: {  	[bflag:$0x0] =	sbarrier.arrive $0xFFFF;
	(pc) =	sbr.rel @p0 .LBB2_1-.Ltmp2, $4  }
0xae: {  	[hbm:s11], [sflag:s6] =	dma.local [spmem:s13], $0x2800  }
0xaf: {  	_ =	swait.ge [sflag:s14], $0x2800  }
0xb0: {  	[sflag:s14] =	ssyncset.done $0x0  }
0xb1: {  	[sflag:s14] =	ssyncadd.s32 $0xFFFFD800  }
0xb2: {  	_ =	sfence.sel $0x180000  }
0xb3: {  	[bflag:$0x0] =	sbarrier.arrive $0xFFFF  }
0xb4: {  	p0 =	sne.s32 s2, $0x0;
	_ =	strace $0x9000004D  }
0xb5: {  	s0 =	sadd.s32 @!p0 $0x100000, s0;
	[bflag:$0x2] =	sbarrier.arrive $0xFFFF  }
0xb6: {  	[sflag:s0] =	ssyncadd.tile.s32 @!p0 $0x1;
	_ =	shalt  }
.Lfunc_end2:
_tile_overlayer_lowered:
.L_overlay_start_2:
0xb7: {  	(tag) =	ssettag $0x2  }
0xb8: {  	s0 =	rddreg [dreg:$0x0];
	s2 =	stileid.u32  }
0xb9: {  	s1 =	rddreg [dreg:$0x1];
	p0 =	sne.s32 s2, $0x0  }
0xba: {  	s3 =	rddreg [dreg:$0x2];
	[bflag:$0x3] =	sbarrier.arrive $0xFFFF;
	s2 =	simm.s32 @!p0 $0x1C03  }
0xbb: {  	[timem:s3], [sflag:s2] =	dma.local @!p0 [hbm:s0], s1  }
0xbc: {  	s0 =	simm.s32 @!p0 $0x3  }
0xbd: {  	_ =	swait.ge @!p0 [sflag:s0], s1  }
0xbe: {  	s1 =	ssub.s32 @!p0 $0x0, s1;
	[sflag:s0] =	ssyncset.done @!p0 $0x0  }
0xbf: {  	[sflag:s0] =	ssyncadd.s32 @!p0 s1  }
0xc0: {  	[bflag:$0x3] =	sbarrier.arrive $0xFFFF  }
0xc1: {  	_ =	shalt  }

// kernel: kernel.9.cloned.1.call-start
scs
__scs_entry_jumppad:
0x0: {  	(pc) =	sbr.rel $0x88, $3  }
0x1: {  	(tag) =	ssettag $0x0;
	lr =	simm.s32 $0x1  }
0x2: {  	[smem:$0x3F9B] =	sst lr;
	_ =	strace $0xD0000000  }
0x3: {  	_ = 	snop  }
0x4: {  	_ = 	snop  }
0x5: {  	_ = 	snop  }
0x6: {  	_ = 	snop  }
0x7: {  	_ = 	snop  }
__scs_overlays_trampoline_lowered:
0x8: {  	[smem:$0x3FAA] =	sst s0  }
0x9: {  	[smem:$0x3FAB] =	sst s1  }
0xa: {  	[smem:$0x3FAC] =	sst s2  }
0xb: {  	[smem:$0x3FAD] =	sst s3  }
0xc: {  	[smem:$0x3FAE] =	sst s4  }
0xd: {  	[smem:$0x3FAF] =	sst s5  }
0xe: {  	[smem:$0x3FB0] =	sst s6  }
0xf: {  	[smem:$0x3FB1] =	sst s7  }
0x10: {  	[smem:$0x3FB2] =	sst s8  }
0x11: {  	[smem:$0x3FB3] =	sst s9;
	s0 =	simm.s32 @!p0 $0x0  }
0x12: {  	s1 =	sld [smem:$0x3F99];
	s0 =	simm.s32 @p0 $0x1  }
0x13: {  	[smem:$0x3FB4] =	sst s0;
	s0 =	simm.s32 @!p1 $0x0  }
0x14: {  	s2 =	sld [smem:$0x3F98];
	s0 =	simm.s32 @p1 $0x1  }
0x15: {  	[smem:$0x3FB5] =	sst s0;
	s0 =	simm.s32 @!p2 $0x0  }
0x16: {  	s3 =	sld [smem:$0x3FDB];
	s0 =	simm.s32 @p2 $0x1  }
0x17: {  	s4 =	simm.s32 $0x1BF5;
	[smem:$0x3FB7] =	sst s0  }
0x18: {  	s0 =	sld [smem:$0x3F9A];
	_ =	swait.ge [sflag:s4], $0x0  }
0x19: {  	s7 =	sld [smem:$0x3F9B]  }
0x1a: {  	s8 =	sadd.s32 $0xFFFFE003, lr  }
0x1b: {  	s9 =	sadd.s32 $0xFFFFFEF7, lr;
	s5 =	simm.s32 $0xFFFFFFFF;
	p2 =	slt.u32 s8, $0xFFFFF086  }
0x1c: {  	p1 =	slt.u32 s9, $0xF7A;
	s5 =	simm.s32 @!p2 $0x0  }
0x1d: {  	s5 =	simm.s32 @p1 $0x1;
	p0 =	seq.s32 s7, s2  }
0x1e: {  	s7 =	smul.u32 @!p0 $0xF7A, s2;
	p2 =	seq.s32 @!p0 s5, $0x0  }
0x1f: {  	s9 =	smul.u32 $0xF7A, s1;
	s8 =	simm.s32 @!p0 $0x1BF5;
	p2 =	por !p2, p0  }
0x20: {  	[sflag:s8] =	ssyncset.s32 @!p0 $0xFFFFF086;
	s6 =	sadd.s32 @!p0 s3, s7;
	s7 =	simm.s32 @!p0 $0x108  }
0x21: {  	s3 =	sadd.s32 s3, s9;
	s6 =	sadd.s32 @!p0 $0x88, s6;
	s7 =	simm.s32 @p2 $0x1082  }
0x22: {  	[simem:s7], [sflag:s8] =	dma.local @!p0 [hbm:s6], $0xF7A  }
0x23: {  	s9 =	sor.u32 $0xD0000000, s2;
	s6 =	simm.s32 $0x108;
	_ =	swait.ge @!p0 [sflag:s8], $0x0  }
0x24: {  	s3 =	sadd.s32 $0x88, s3;
	s6 =	simm.s32 @!p1 $0x1082;
	[sflag:s4] =	ssyncset.s32 $0xFFFFF086  }
0x25: {  	[simem:s6], [sflag:s4] =	dma.local [hbm:s3], $0xF7A  }
0x26: {  	[smem:$0x3F9B] =	sst s1;
	(tag) =	ssettag s2;
	_ =	strace s9  }
0x27: {  	s1 =	sld [smem:$0x3FAB]  }
0x28: {  	s2 =	sld [smem:$0x3FAC]  }
0x29: {  	s4 =	sld [smem:$0x3FAE]  }
0x2a: {  	p0 =	seq.s32 s5, $0x0;
	s5 =	sld [smem:$0x3FAF]  }
0x2b: {  	s6 =	sld [smem:$0x3FB0]  }
0x2c: {  	s7 =	sld [smem:$0x3FB1]  }
0x2d: {  	s3 =	simm.s32 $0x108;
	s8 =	sld [smem:$0x3FB2]  }
0x2e: {  	s3 =	simm.s32 @!p0 $0x1082;
	s9 =	sld [smem:$0x3FB3]  }
0x2f: {  	lr =	sadd.s32 s0, s3;
	s0 =	sld [smem:$0x3FAA]  }
0x30: {  	s3 =	sld [smem:$0x3FAD]  }
0x31: {  	[smem:$0x3FB6] =	sst s10  }
0x32: {  	s10 =	sld [smem:$0x3FB4];
	_ =	sdelay $0x3  }
0x33: {  	p0 =	seq.s32 s10, $0x1;
	s10 =	sld [smem:$0x3FB6];
	_ =	sdelay $0x3  }
0x34: {  	[smem:$0x3FB6] =	sst s10  }
0x35: {  	s10 =	sld [smem:$0x3FB5];
	_ =	sdelay $0x3  }
0x36: {  	p1 =	seq.s32 s10, $0x1;
	s10 =	sld [smem:$0x3FB6];
	_ =	sdelay $0x3  }
0x37: {  	[smem:$0x3FB6] =	sst s10  }
0x38: {  	s10 =	sld [smem:$0x3FB7]  }
0x39: {  	_ = 	snop;
	(pc) =	sbr.ind lr, $3  }
0x3a: {  	_ = 	snop  }
0x3b: {  	_ = 	snop  }
0x3c: {  	p2 =	seq.s32 s10, $0x1;
	s10 =	sld [smem:$0x3FB6]  }
0x3d: {  	_ =	shalt  }
0x3e: {  	_ =	shalt  }
0x3f: {  	_ =	shalt  }
0x40: {  	_ =	shalt  }
0x41: {  	_ =	shalt  }
0x42: {  	_ =	shalt  }
0x43: {  	_ =	shalt  }
0x44: {  	_ =	shalt  }
0x45: {  	_ =	shalt  }
0x46: {  	_ =	shalt  }
0x47: {  	_ =	shalt  }
0x48: {  	_ =	shalt  }
0x49: {  	_ =	shalt  }
0x4a: {  	_ =	shalt  }
0x4b: {  	_ =	shalt  }
0x4c: {  	_ =	shalt  }
0x4d: {  	_ =	shalt  }
0x4e: {  	_ =	shalt  }
0x4f: {  	_ =	shalt  }
0x50: {  	_ =	shalt  }
0x51: {  	_ =	shalt  }
0x52: {  	_ =	shalt  }
0x53: {  	_ =	shalt  }
0x54: {  	_ =	shalt  }
0x55: {  	_ =	shalt  }
0x56: {  	_ =	shalt  }
0x57: {  	_ =	shalt  }
0x58: {  	_ =	shalt  }
0x59: {  	_ =	shalt  }
0x5a: {  	_ =	shalt  }
0x5b: {  	_ =	shalt  }
0x5c: {  	_ =	shalt  }
0x5d: {  	_ =	shalt  }
0x5e: {  	_ =	shalt  }
0x5f: {  	_ =	shalt  }
0x60: {  	_ =	shalt  }
0x61: {  	_ =	shalt  }
0x62: {  	_ =	shalt  }
0x63: {  	_ =	shalt  }
0x64: {  	_ =	shalt  }
0x65: {  	_ =	shalt  }
0x66: {  	_ =	shalt  }
0x67: {  	_ =	shalt  }
0x68: {  	_ =	shalt  }
0x69: {  	_ =	shalt  }
0x6a: {  	_ =	shalt  }
0x6b: {  	_ =	shalt  }
0x6c: {  	_ =	shalt  }
0x6d: {  	_ =	shalt  }
0x6e: {  	_ =	shalt  }
0x6f: {  	_ =	shalt  }
0x70: {  	_ =	shalt  }
0x71: {  	_ =	shalt  }
0x72: {  	_ =	shalt  }
0x73: {  	_ =	shalt  }
0x74: {  	_ =	shalt  }
0x75: {  	_ =	shalt  }
0x76: {  	_ =	shalt  }
0x77: {  	_ =	shalt  }
0x78: {  	_ =	shalt  }
0x79: {  	_ =	shalt  }
0x7a: {  	_ =	shalt  }
0x7b: {  	_ =	shalt  }
0x7c: {  	_ =	shalt  }
0x7d: {  	_ =	shalt  }
0x7e: {  	_ =	shalt  }
0x7f: {  	_ =	shalt  }
0x80: {  	_ =	shalt  }
0x81: {  	_ =	shalt  }
0x82: {  	_ =	shalt  }
0x83: {  	_ =	shalt  }
0x84: {  	_ =	shalt  }
0x85: {  	_ =	shalt  }
0x86: {  	_ =	shalt  }
0x87: {  	_ =	shalt  }
.Lfunc_end0:
.L_simem_size_0:
called_computation_lowered:
.L_overlay_start_0:
0x88: {  	s2 =	sld [smem:$0x3FD9]  }
0x89: {  	s3 =	sld [smem:$0x3FFE];
	_ =	sdelay $0x1  }
0x8a: {  	s1 =	srdreg.scid  }
0x8b: {  	s0 =	sand.u32 $0x1, s1  }
0x8c: {  	s16 =	sshll.u32 s0, $0xA;
	s2 =	sadd.s32 s3, s2  }
0x8d: {  	s2 =	sadd.s32 s2, s16  }
0x8e: {  	[smem:$0x3FC2] =	sst s2  }
0x8f: {  	_ = 	snop  }
0x90: {  	(tm) =	ssettm $0x1  }
0x91: {  	s17 =	sld [smem:$0x3FFB];
	_ =	sdelay $0x3  }
0x92: {  	_ =	strace s17  }
0x93: {  	s2 =	sld [smem:$0x3FFC];
	_ =	sdelay $0x3  }
0x94: {  	_ =	strace s2  }
0x95: {  	s2 =	sld [smem:$0x3FFD];
	_ =	sdelay $0x3  }
0x96: {  	_ =	strace s2  }
0x97: {  	_ =	strace $0x8FFFFFFF  }
0x98: {  	s18 =	sld [smem:$0x3FDB];
	_ =	sdelay $0x1  }
0x99: {  	s19 =	simm.s32 $_scs_section_size  }
0x9a: {  	s4 =	simm.s32 $_size__tile_overlayer_lowered;
	s5 =	simm.s32 $_tile_overlayer_lowered  }
0x9b: {  	s22 =	simm.s32 $0x1BFF;
	s21 =	sshll.u32 s5, $0x1;
	s2 =	sadd.s32 s19, s18  }
0x9c: {  	s6 =	simm.s32 $0x0;
	s20 =	sshll.u32 s4, $0x1;
	s4 =	sadd.s32 s21, s2  }
0x9d: {  	[timem:s6], [sflag:s22] =	dma.local [hbm:s4], s20  }
0x9e: {  	_ =	swait.ge [sflag:s22], s20  }
0x9f: {  	s3 =	ssub.s32 $0x0, s20;
	[sflag:s22] =	ssyncset.done $0x0  }
0xa0: {  	[sflag:s22] =	ssyncadd.s32 s3;
	_ =	sdelay $0x1  }
0xa1: {  	s23 =	simm.s32 $0x1B8B  }
0xa2: {  	_ =	swait.ge [sflag:s23], $0x1  }
0xa3: {  	[sflag:s23] =	ssyncset.done $0x0  }
0xa4: {  	s25 =	simm.s32 $0x1B8E;
	s24 =	sld [smem:$0x3FFE];
	[sflag:s23] =	ssyncadd.s32 $0xFFFFFFFF  }
0xa5: {  	s26 =	simm.s32 $execute0_lowered;
	[smem:$0x3FD2] =	sst s25  }
0xa6: {  	s4 =	sshll.u32 s26, $0x1;
	_ =	strace $0x80000046;
	[dreg:$0x1] =	wrdreg $0xFFFFFFFF  }
0xa7: {  	s28 =	simm.s32 $_size_execute0_lowered;
	s2 =	sadd.s32 s2, s4;
	[dreg:$0x0] =	wrdreg $0x0  }
0xa8: {  	s4 =	sshll.u32 s28, $0x1;
	[dreg:$0x2] =	wrdreg s2  }
0xa9: {  	[dreg:$0x3] =	wrdreg s4  }
0xaa: {  	[dreg:$0x4] =	wrdreg $0xC0  }
0xab: {  	_ =	task [dreg:s6], $0x5FFFF  }
0xac: {  	[dreg:$0x1] =	wrdreg $0xFFFFFFFF  }
0xad: {  	[dreg:$0x0] =	wrdreg $0x60  }
0xae: {  	[dreg:$0x2] =	wrdreg s24  }
0xaf: {  	[dreg:$0x3] =	wrdreg $0x68000  }
0xb0: {  	[dreg:$0x4] =	wrdreg $0x9  }
0xb1: {  	_ =	task.clear_ibuf [dreg:s6], $0x5FFFF;
	_ =	strace $0x90000046  }
0xb2: {  	s29 =	simm.s32 $0x9;
	_ =	strace $0x80000048  }
0xb3: {  	_ =	swait.ge [sflag:s29], $0x1  }
0xb4: {  	[sflag:s29] =	ssyncadd.s32 $0xFFFFFFFF  }
0xb5: {  	_ =	strace $0x90000048  }
0xb6: {  	_ =	sfence  }
0xb7: {  	s30 =	sld [smem:$0x0];
	_ =	sdelay $0x2  }
0xb8: {  	s31 =	sshll.u32 s1, $0xD;
	s1 =	sshrl.u32 s1, $0x2  }
0xb9: {  	s3 =	sand.u32 $0x4000, s31;
	s1 =	sadd.s32 s1, s30  }
0xba: {  	s0 =	sor.u32 s3, s0;
	s1 =	sshll.u32 s1, $0x11  }
0xbb: {  	s0 =	sor.u32 s1, s0  }
0xbc: {  	s0 =	sadd.s32 $0x8F2B, s0  }
0xbd: {  	[sflag:s0] =	ssyncadd.remote.s32 $0x1  }
0xbe: {  	_ =	sfence.sel $0xFFFF  }
0xbf: {  	[dreg:$0x0] =	wrdreg $0xFFFFFFFF;
	(pc) =	sbr.abs _section_cstart, $3  }
0xc0: {  	[dreg:$0x1] =	wrdreg $0xFFFFFFFF  }
0xc1: {  	_ =	task.clear_ibuf [dreg:s6], $0x2FFFF;
	_ =	strace $0x9FFFFFFF  }
0xc2: {  	(tm) =	ssettm $0x7FFFFFFF  }
0xc3: {  	_ =	shalt  }
tec
execute0_lowered:
.L_overlay_start_1:
0x0: {  	(tag) =	ssettag $0x1  }
0x1: {  	s7 =	rddreg [dreg:$0x0]  }
0x2: {  	s0 =	srdreg.scid;
	s2 =	rddreg [dreg:$0x1]  }
0x3: {  	s3 =	simm.s32 $0x0;
	s13 =	simm.s32 $0x80;
	s6 =	sand.u32 $0x1, s0  }
0x4: {  	s14 =	simm.s32 $0x0;
	s0 =	stileid.u32;
	s5 =	smul.u32 $0x140000, s6  }
0x5: {  	[smem:$0x7FF] =	sst s3;
	s1 =	sshll.u32 s6, $0x4;
	s8 =	smul.u32 $0x14000, s0  }
0x6: {  	s10 =	smul.u32 $0x50000, s0;
	s6 =	ssub.s32 $0x2, s6;
	s11 =	sshll.u32 s0, $0x6  }
0x7: {  	s1 =	sor.u32 s0, s1;
	s31 =	sshrl.u32 s6, $0x1;
	s11 =	sor.u32 $0x1C01, s11  }
0x8: {  	s4 =	smul.u32 $0x500, s1;
	s1 =	rddreg [dreg:$0x2];
	_ =	strace $0x80000047  }
0x9: {  	s8 =	sadd.s32 s8, s5;
	s5 =	sadd.s32 $0xCA00, s7;
	s10 =	sshrl.u32 s10, $0x2  }
0xa: {  	s8 =	sshrl.u32 s8, $0x3;
	s12 =	sadd.s32 s10, s2;
	s10 =	simm.s32 $0x2800  }
0xb: {  	s9 =	sadd.s32 s4, s7;
	s4 =	sadd.s32 $0xD200, s7;
	s7 =	sadd.s32 s8, s7  }
0xc: {  	s8 =	ssub.s32 s6, s31;
	s12 =	sshrl.u32 s12, $0x3;
	s6 =	sadd.s32 $0x2A00, s9  }
0xd: {  	s7 =	sadd.s32 $0xFA00, s7;
	s8 =	smax.u32 s8, $0x1;
	s9 =	simm.s32 $0x1  }
.LBB2_1:
0xe: {  	[tilespmem:s3], [sflag:$0x1] =	stream.linear.gather [hbm4b:s6+s3], $0x2800, $0x38;
	[tilespmem:$0x1A800] =	vst v63  }
0xf: {  	_ =	swait.ge [sflag:s9], $0x2800  }
0x10: {  	[sflag:s9] =	ssyncset.done $0x0  }
0x11: {  	[sflag:s9] =	ssyncadd.s32 $0xFFFFD800  }
0x12: {  	[tilespmem:s10], [sflag:$0x1] =	stream.linear.gather [hbm4b:s5+s3], $0x4000, $0x38;
	[tilespmem:$0x1A800] =	vst v63  }
0x13: {  	_ =	swait.ge [sflag:s9], $0x4000  }
0x14: {  	[sflag:s9] =	ssyncset.done $0x0  }
0x15: {  	[sflag:s9] =	ssyncadd.s32 $0xFFFFC000  }
0x16: {  	[spmem:s12], [sflag:s11] =	dma.local [hbm:s4], $0x2800  }
0x17: {  	_ =	swait.ge [sflag:s9], $0x2800  }
0x18: {  	[sflag:s9] =	ssyncset.done $0x0  }
0x19: {  	[sflag:s9] =	ssyncadd.s32 $0xFFFFD800  }
0x1a: {  	s15 =	simm.s32 $0x0;
	[bflag:$0x0] =	sbarrier.arrive $0xFFFF  }
0x1b: {  	[spmem:s2] =	stream.indirect.scatter.add.f32 [tilespmem:s10], [sflag:$0x1], $0x80, s15, s13, $0xb8;
	[tilespmem:$0x1A800] =	vst v63  }
0x1c: {  	_ =	swait.ge [sflag:s9], $0x4000  }
0x1d: {  	s15 =	simm.s32 $0x200;
	[sflag:s9] =	ssyncset.done $0x0  }
.LBB2_2:
0x1e: {  	s16 =	sshra.s32 s15, $0x2;
	[sflag:s9] =	ssyncadd.s32 $0xFFFFC000;
	p0 =	sne.s32 s15, $0x9E00  }
0x1f: {  	[spmem:s2] =	stream.indirect.scatter.add.f32 [tilespmem:s10], [sflag:$0x1], $0x80, s16, s13, $0xb8;
	[tilespmem:$0x1A800] =	vst v63  }
.Ltmp0:
0x20: {  	_ = 	snop;
	(pc) =	sbr.rel @p0 .LBB2_2-.Ltmp0, $4  }
0x21: {  	_ = 	snop  }
0x22: {  	s15 =	sadd.s32 $0x200, s15  }
0x23: {  	_ =	swait.ge [sflag:s9], $0x4000  }
0x24: {  	[sflag:s9] =	ssyncset.done $0x0  }
0x25: {  	s14 =	sadd.s32 $0x1, s14  }
0x26: {  	[sflag:s9] =	ssyncadd.s32 $0xFFFFC000;
	p0 =	sne.s32 s14, s8  }
.Ltmp1:
0x27: {  	[bflag:$0x0] =	sbarrier.arrive $0xFFFF;
	(pc) =	sbr.rel @p0 .LBB2_1-.Ltmp1, $4  }
0x28: {  	[hbm:s7], [sflag:s11] =	dma.local [spmem:s12], $0x2800  }
0x29: {  	_ =	swait.ge [sflag:s9], $0x2800  }
0x2a: {  	[sflag:s9] =	ssyncset.done $0x0  }
0x2b: {  	[sflag:s9] =	ssyncadd.s32 $0xFFFFD800  }
0x2c: {  	_ =	sfence.sel $0x180000  }
0x2d: {  	[bflag:$0x0] =	sbarrier.arrive $0xFFFF  }
0x2e: {  	p0 =	sne.s32 s0, $0x0;
	_ =	strace $0x90000047  }
0x2f: {  	s0 =	sadd.s32 @!p0 $0x100000, s1;
	[bflag:$0x2] =	sbarrier.arrive $0xFFFF  }
0x30: {  	[sflag:s0] =	ssyncadd.tile.s32 @!p0 $0x1;
	_ =	shalt  }
.Lfunc_end2:
_tile_overlayer_lowered:
.L_overlay_start_2:
0x31: {  	(tag) =	ssettag $0x2  }
0x32: {  	s0 =	rddreg [dreg:$0x0];
	s2 =	stileid.u32  }
0x33: {  	s1 =	rddreg [dreg:$0x1];
	p0 =	sne.s32 s2, $0x0  }
0x34: {  	s3 =	rddreg [dreg:$0x2];
	[bflag:$0x3] =	sbarrier.arrive $0xFFFF;
	s2 =	simm.s32 @!p0 $0x1C01  }
0x35: {  	[timem:s3], [sflag:s2] =	dma.local @!p0 [hbm:s0], s1  }
0x36: {  	s0 =	simm.s32 @!p0 $0x1  }
0x37: {  	_ =	swait.ge @!p0 [sflag:s0], s1  }
0x38: {  	s1 =	ssub.s32 @!p0 $0x0, s1;
	[sflag:s0] =	ssyncset.done @!p0 $0x0  }
0x39: {  	[sflag:s0] =	ssyncadd.s32 @!p0 s1  }
0x3a: {  	[bflag:$0x3] =	sbarrier.arrive $0xFFFF  }
0x3b: {  	_ =	shalt  }

</sc_bundles>
